<compile_context>
chip_gen: v7x
topology: tpu7x:2x2x1
jax: 0.10.2.dev20260603
libtpu: 0.0.44.dev20260713+nightly
codegen_flags: <defaults>
</compile_context>

<pallas_src>
import functools

import jax
import jax.numpy as jnp
from jax import lax
from jax.experimental import pallas as pl
from jax.experimental.pallas import tpu as pltpu
from jax.experimental.pallas import tpu_sc as plsc

B, C, H, W = 32, 2, 152, 272
HW = H * W
K = 500
KP = 512
VT = 608
NS, L = 16, 16
NCHUNK = KP // L
NB = 2


def _sc_body(flow_hbm, tab_hbm, out_hbm, *refs):
    bufs = [refs[12 * r:12 * r + 12] for r in range(NB)]
    acc_v, red_v, out_v, shared, sem_in, sem_idx, sem_g = refs[12 * NB:]
    core = lax.axis_index("c")
    s = lax.axis_index("s")
    lane = lax.iota(jnp.int32, L)
    ones = jnp.ones((L,), jnp.int32)

    @pl.when(core == 0)
    def _():
        ind = {}
        for r in range(NB):
            b = s * NB + r
            for a in (2, 0, 1, 3, 4):
                ind[(r, a)] = pltpu.async_copy(
                    tab_hbm.at[a, b], bufs[r][a],
                    sem_idx if a == 2 else sem_in)
        for r in range(NB):
            ind[(r, 2)].wait()

        def idx_body(t, _):
            sl = pl.ds(t * L, L)
            for r in range(NB):
                b = s * NB + r
                index_v = bufs[r][2]
                g0_v, g1_v = bufs[r][7], bufs[r][8]
                base0 = b * (C * HW)
                hw = index_v[sl]
                g0_v[sl] = hw + base0
                g1_v[sl] = hw + (base0 + HW)
            return 0
        lax.fori_loop(0, NCHUNK, idx_body, 0)

        gd = []
        for r in range(NB):
            g0_v, g1_v, f0_v, f1_v = bufs[r][7:11]
            for i in range(KP // 128):
                gd.append(pltpu.async_copy(
                    flow_hbm.at[g0_v.at[pl.ds(i * 128, 128)]],
                    f0_v.at[pl.ds(i * 128, 128)], sem_g))
                gd.append(pltpu.async_copy(
                    flow_hbm.at[g1_v.at[pl.ds(i * 128, 128)]],
                    f1_v.at[pl.ds(i * 128, 128)], sem_g))

        def init_body(t, _):
            for r in range(NB):
                bufs[r][5][pl.ds(t * L, L)] = jnp.zeros((L,), jnp.int32)
                bufs[r][6][pl.ds(t * L, L)] = jnp.full((L,), -1, jnp.int32)
            return 0
        lax.fori_loop(0, VT // L, init_body, 0)
        for r in range(NB):
            for a in (0, 1, 3, 4):
                ind[(r, a)].wait()

        def table_body(t, _):
            sl = pl.ds(t * L, L)
            for r in range(NB):
                ids_v, ids2_v = bufs[r][0], bufs[r][1]
                cnt1, last2, srt_v = bufs[r][5], bufs[r][6], bufs[r][11]
                plsc.addupdate_scatter(cnt1, [ids_v[sl]], ones)
                v = ids2_v[sl]
                skey = lax.sort(v * L + lane)
                vs = lax.shift_right_logical(skey, 4)
                jloc = skey - vs * L
                srt_v[:] = vs
                nxt = plsc.load_gather(srt_v, [jnp.minimum(lane + 1, L - 1)])
                runend = (vs != nxt) | (lane == L - 1)
                plsc.store_scatter(last2, [vs], t * L + jloc, mask=runend)
            return 0
        lax.fori_loop(0, NCHUNK, table_body, 0)

        for d in gd:
            d.wait()

        def eval_body(t, carry):
            nacc, macc = carry
            sl = pl.ds(t * L, L)
            for r in range(NB):
                (ids_v, ids2_v, index_v, index2_v, mask_v,
                 cnt1, last2, g0_v, g1_v, f0_v, f1_v, srt_v) = bufs[r]
                v = ids_v[sl]
                c1 = plsc.load_gather(cnt1, [v])
                j2 = plsc.load_gather(last2, [v])
                wr = (v != 0) & (c1 == 1) & (j2 >= 0)
                idx2 = plsc.load_gather(index2_v, [jnp.maximum(j2, 0)])
                r1i = ((idx2.astype(jnp.float32) + 0.5)
                       * jnp.float32(1.0 / W)).astype(jnp.int32)
                r1 = r1i.astype(jnp.float32)
                r0 = (idx2 - r1i * W).astype(jnp.float32)
                m = mask_v[sl].astype(jnp.float32)
                term = (jnp.abs(f0_v[sl] * m - r0)
                        + jnp.abs(f1_v[sl] * m - r1))
                nacc = nacc + jnp.where(wr, term, 0.0)
                macc = macc + mask_v[sl]
            return nacc, macc
        numer, msum = lax.fori_loop(
            0, NCHUNK, eval_body,
            (jnp.zeros((L,), jnp.float32), jnp.zeros((L,), jnp.int32)))

        ns = jnp.sum(numer)
        ms = jnp.sum(msum).astype(jnp.float32)
        acc_v[:] = jnp.where(lane == 0, ns, jnp.where(lane == 1, ms, 0.0))
        pltpu.sync_copy(acc_v, shared.at[pl.ds(s * L, L)])
        plsc.subcore_barrier()

        @pl.when(s == 0)
        def _():
            pltpu.sync_copy(shared, red_v)

            def red_body(i, tot):
                return tot + red_v[pl.ds(i * L, L)]
            tot = lax.fori_loop(0, NS, red_body, jnp.zeros((L,), jnp.float32))
            acc_v[:] = tot
            n_all = plsc.load_gather(acc_v, [jnp.zeros((L,), jnp.int32)])
            m_all = plsc.load_gather(acc_v, [jnp.ones((L,), jnp.int32)])
            out_v[:] = n_all / (2.0 * m_all + 0.0001)
            pltpu.sync_copy(out_v, out_hbm)


@jax.jit
def kernel(flow, mask, index, ids, index2, ids2):
    tab = jnp.pad(jnp.stack([ids, ids2, index, index2, mask]),
                  ((0, 0), (0, 0), (0, KP - K)))
    flow_flat = flow.reshape(-1)

    per_batch = [
        pltpu.VMEM((KP,), jnp.int32),
        pltpu.VMEM((KP,), jnp.int32),
        pltpu.VMEM((KP,), jnp.int32),
        pltpu.VMEM((KP,), jnp.int32),
        pltpu.VMEM((KP,), jnp.int32),
        pltpu.VMEM((VT,), jnp.int32),
        pltpu.VMEM((VT,), jnp.int32),
        pltpu.VMEM((KP,), jnp.int32),
        pltpu.VMEM((KP,), jnp.int32),
        pltpu.VMEM((KP,), jnp.float32),
        pltpu.VMEM((KP,), jnp.float32),
        pltpu.VMEM((L,), jnp.int32),
    ]
    mesh = plsc.VectorSubcoreMesh(core_axis_name="c", subcore_axis_name="s")
    run = functools.partial(
        pl.kernel, mesh=mesh,
        compiler_params=pltpu.CompilerParams(needs_layout_passes=False),
        out_type=jax.ShapeDtypeStruct((L,), jnp.float32),
        scratch_types=per_batch * NB + [
            pltpu.VMEM((L,), jnp.float32),
            pltpu.VMEM((NS * L,), jnp.float32),
            pltpu.VMEM((L,), jnp.float32),
            pltpu.VMEM_SHARED((NS * L,), jnp.float32),
            pltpu.SemaphoreType.DMA,
            pltpu.SemaphoreType.DMA,
            pltpu.SemaphoreType.DMA,
        ],
    )(_sc_body)
    out = run(flow_flat, tab)
    return out[0]

# --- scband reference (transcript-rebuilt; emitter-appended) ---
"""Pipeline reference for scband-forward-loss-25761213841995 (READ-ONLY COPY).

The authoritative reference and input builder live on the scoring server;
editing this copy changes nothing except your own understanding.
"""

import jax, jax.numpy as jnp
import numpy as np

B, C, H, W = 32, 2, 152, 272
K = 500

def setup_inputs(seed: int = 0):
    key = jax.random.key(seed)
    k1, k2, k3, k4, k5, k6 = jax.random.split(key, 6)
    flow = jax.random.normal(k1, (B, C, H, W), dtype=jnp.float32)
    mask = jax.random.randint(k2, (B, K), 0, 2, dtype=jnp.int32)
    index = jax.random.randint(k3, (B, K), 0, H * W, dtype=jnp.int32)
    ids = jax.random.randint(k4, (B, K), 0, 600, dtype=jnp.int32)
    index2 = jax.random.randint(k5, (B, K), 0, H * W, dtype=jnp.int32)
    ids2 = jax.random.randint(k6, (B, K), 0, 600, dtype=jnp.int32)
    return {"flow": flow, "mask": mask, "index": index, "ids": ids, "index2": index2, "ids2": ids2}

def _reorder(ids, ids2, index2):
    # Faithful traceable translation of the python double loop over batch and ids2.
    # In the original, int(nonzero(...)) succeeds only for a single match;
    # zero or multiple matches raise -> except -> -1.
    Bn, Kn = ids.shape
    eq = ids[:, None, :] == ids2[:, :, None]          # (B, j, k): ids[b,k] == ids2[b,j]
    cnt = jnp.sum(eq.astype(jnp.int32), axis=2)       # number of matches per j
    x = jnp.argmax(eq, axis=2)                        # first match position (== m[0] when cnt==1)
    valid = (ids2 != 0) & (cnt == 1)                  # order[j] != -1
    jar = jnp.arange(Kn, dtype=jnp.int32)
    onehot = valid[:, :, None] & (x[:, :, None] == jar[None, None, :])  # (B, j, x)
    # Sequential loop semantics: the largest valid j writing to slot x wins.
    jwin = jnp.max(jnp.where(onehot, jar[None, :, None], -1), axis=1)   # (B, x)
    has = jwin >= 0
    jsafe = jnp.clip(jwin, 0, Kn - 1)
    idx2 = jnp.take_along_axis(index2, jsafe, axis=1)                   # (B, x)
    r0 = jnp.where(has, (idx2 % W).astype(jnp.float32), 0.0)
    r1 = jnp.where(has, (idx2 // W).astype(jnp.float32), 0.0)
    reord = jnp.stack([r0, r1], axis=2)
    mind = has.astype(jnp.float32)[:, :, None]
    return reord, mind

def reference(flow, mask, index, ids, index2, ids2):
    Bn, Cn = flow.shape[0], flow.shape[1]
    # _tranpose_and_gather_feat: [B,C,H,W] -> [B,HW,C] -> gather at index -> [B,K,C]
    feat = jnp.transpose(flow.reshape(Bn, Cn, -1), (0, 2, 1))
    idx = jnp.broadcast_to(index[:, :, None].astype(jnp.int32), (Bn, index.shape[1], Cn))
    pred = jnp.take_along_axis(feat, idx, axis=1)
    maskf = jnp.broadcast_to(mask[:, :, None].astype(jnp.float32), pred.shape)
    xy = pred * maskf
    reord, mind = _reorder(ids, ids2, index2)
    xy = xy * jnp.asarray(mind)
    loss = jnp.sum(jnp.abs(xy - jnp.asarray(reord)))  # l1_loss with size_average=False (sum)
    loss = loss / (maskf.sum() + 0.0001)
    return loss

if __name__ == "__main__":
    import jax
    _d = setup_inputs()
    print(jax.jit(kernel)(*tuple(_d.values())))

</pallas_src>

<mosaic_0001>
#map = affine_map<(d0, d1) -> (0)>
#map1 = affine_map<(d0, d1) -> (0, 0, 0)>
module attributes {stable_mosaic.version = 14 : i64} {
  func.func @_sc_body(%arg0: i32, %arg1: i32, %arg2: memref<2646016xf32, #tpu.memory_space<hbm>>, %arg3: memref<5x32x512xi32, #tpu.memory_space<hbm>>, %arg4: memref<16xf32, #tpu.memory_space<hbm>>, %arg5: memref<512xi32, #tpu.memory_space<vmem>>, %arg6: memref<512xi32, #tpu.memory_space<vmem>>, %arg7: memref<512xi32, #tpu.memory_space<vmem>>, %arg8: memref<512xi32, #tpu.memory_space<vmem>>, %arg9: memref<512xi32, #tpu.memory_space<vmem>>, %arg10: memref<608xi32, #tpu.memory_space<vmem>>, %arg11: memref<608xi32, #tpu.memory_space<vmem>>, %arg12: memref<512xi32, #tpu.memory_space<vmem>>, %arg13: memref<512xi32, #tpu.memory_space<vmem>>, %arg14: memref<512xf32, #tpu.memory_space<vmem>>, %arg15: memref<512xf32, #tpu.memory_space<vmem>>, %arg16: memref<16xi32, #tpu.memory_space<vmem>>, %arg17: memref<512xi32, #tpu.memory_space<vmem>>, %arg18: memref<512xi32, #tpu.memory_space<vmem>>, %arg19: memref<512xi32, #tpu.memory_space<vmem>>, %arg20: memref<512xi32, #tpu.memory_space<vmem>>, %arg21: memref<512xi32, #tpu.memory_space<vmem>>, %arg22: memref<608xi32, #tpu.memory_space<vmem>>, %arg23: memref<608xi32, #tpu.memory_space<vmem>>, %arg24: memref<512xi32, #tpu.memory_space<vmem>>, %arg25: memref<512xi32, #tpu.memory_space<vmem>>, %arg26: memref<512xf32, #tpu.memory_space<vmem>>, %arg27: memref<512xf32, #tpu.memory_space<vmem>>, %arg28: memref<16xi32, #tpu.memory_space<vmem>>, %arg29: memref<16xf32, #tpu.memory_space<vmem>>, %arg30: memref<256xf32, #tpu.memory_space<vmem>>, %arg31: memref<16xf32, #tpu.memory_space<vmem>>, %arg32: memref<256xf32, #tpu.memory_space<vmem_shared>>, %arg33: memref<!tpu.dma_semaphore, #tpu.memory_space<semaphore_mem>>, %arg34: memref<!tpu.dma_semaphore, #tpu.memory_space<semaphore_mem>>, %arg35: memref<!tpu.dma_semaphore, #tpu.memory_space<semaphore_mem>>) attributes {dimension_semantics = [#tpu.dimension_semantics<core_parallel>, #tpu.dimension_semantics<subcore_parallel>], iteration_bounds = array<i64: 2, 16>, scalar_prefetch = 0 : i64, scratch_operands = 31 : i64, tpu.core_type = #tpu.core_type<sc_vector_subcore>, window_params = [{transform_indices = #map}, {transform_indices = #map1}, {transform_indices = #map}]} {
    %iota3A = tpu.iota {dimensions = array<i32: 0>} : vector<16xi32>
    %broadcast_in_dim3A = arith.constant 1 : i32
    %broadcast_in_dim3A_0 = vector.broadcast %broadcast_in_dim3A : i32 to vector<16xi32>
    %eq3A = arith.constant 0 : i32
    %eq3A_1 = arith.cmpi eq, %arg0, %eq3A : i32
    %convert_element_type3A = arith.extui %eq3A_1 : i1 to i32
    %cond3A = arith.constant 0 : i32
    %cond3A_2 = arith.cmpi ne, %convert_element_type3A, %cond3A : i32
    scf.if %cond3A_2 {
      %mul3A = arith.constant 2 : i32
      %mul3A_3 = arith.muli %arg1, %mul3A : i32
      %add3A = arith.constant 0 : i32
      %add3A_4 = arith.addi %mul3A_3, %add3A : i32
      %dma_start3A = arith.constant 2 : i32
      %dma_start3A_5 = arith.constant 0 : i32
      %dma_start3A_6 = tpu.memref_slice %arg3[%dma_start3A, %add3A_4, %dma_start3A_5] : memref<5x32x512xi32, #tpu.memory_space<hbm>> -> memref<1x1x512xi32, #tpu.memory_space<hbm>>
      %dma_start3A_7 = tpu.memref_squeeze %dma_start3A_6 : memref<1x1x512xi32, #tpu.memory_space<hbm>> -> memref<512xi32, #tpu.memory_space<hbm>>
      %dma_start3A_8 = arith.constant 0 : i32
      %dma_start3A_9 = tpu.memref_slice %arg3[%dma_start3A, %add3A_4, %dma_start3A_8] : memref<5x32x512xi32, #tpu.memory_space<hbm>> -> memref<1x1x512xi32, #tpu.memory_space<hbm>>
      %dma_start3A_10 = tpu.memref_squeeze %dma_start3A_9 : memref<1x1x512xi32, #tpu.memory_space<hbm>> -> memref<512xi32, #tpu.memory_space<hbm>>
      tpu.enqueue_dma source(%dma_start3A_10 : memref<512xi32, #tpu.memory_space<hbm>>) target(%arg7 : memref<512xi32, #tpu.memory_space<vmem>>) target_semaphore(%arg34 : memref<!tpu.dma_semaphore, #tpu.memory_space<semaphore_mem>>)
      %dma_start3A_11 = arith.constant 0 : i32
      %dma_start3A_12 = arith.constant 0 : i32
      %dma_start3A_13 = tpu.memref_slice %arg3[%dma_start3A_11, %add3A_4, %dma_start3A_12] : memref<5x32x512xi32, #tpu.memory_space<hbm>> -> memref<1x1x512xi32, #tpu.memory_space<hbm>>
      %dma_start3A_14 = tpu.memref_squeeze %dma_start3A_13 : memref<1x1x512xi32, #tpu.memory_space<hbm>> -> memref<512xi32, #tpu.memory_space<hbm>>
      %dma_start3A_15 = arith.constant 0 : i32
      %dma_start3A_16 = tpu.memref_slice %arg3[%dma_start3A_11, %add3A_4, %dma_start3A_15] : memref<5x32x512xi32, #tpu.memory_space<hbm>> -> memref<1x1x512xi32, #tpu.memory_space<hbm>>
      %dma_start3A_17 = tpu.memref_squeeze %dma_start3A_16 : memref<1x1x512xi32, #tpu.memory_space<hbm>> -> memref<512xi32, #tpu.memory_space<hbm>>
      tpu.enqueue_dma source(%dma_start3A_17 : memref<512xi32, #tpu.memory_space<hbm>>) target(%arg5 : memref<512xi32, #tpu.memory_space<vmem>>) target_semaphore(%arg33 : memref<!tpu.dma_semaphore, #tpu.memory_space<semaphore_mem>>)
      %dma_start3A_18 = arith.constant 1 : i32
      %dma_start3A_19 = arith.constant 0 : i32
      %dma_start3A_20 = tpu.memref_slice %arg3[%dma_start3A_18, %add3A_4, %dma_start3A_19] : memref<5x32x512xi32, #tpu.memory_space<hbm>> -> memref<1x1x512xi32, #tpu.memory_space<hbm>>
      %dma_start3A_21 = tpu.memref_squeeze %dma_start3A_20 : memref<1x1x512xi32, #tpu.memory_space<hbm>> -> memref<512xi32, #tpu.memory_space<hbm>>
      %dma_start3A_22 = arith.constant 0 : i32
      %dma_start3A_23 = tpu.memref_slice %arg3[%dma_start3A_18, %add3A_4, %dma_start3A_22] : memref<5x32x512xi32, #tpu.memory_space<hbm>> -> memref<1x1x512xi32, #tpu.memory_space<hbm>>
      %dma_start3A_24 = tpu.memref_squeeze %dma_start3A_23 : memref<1x1x512xi32, #tpu.memory_space<hbm>> -> memref<512xi32, #tpu.memory_space<hbm>>
      tpu.enqueue_dma source(%dma_start3A_24 : memref<512xi32, #tpu.memory_space<hbm>>) target(%arg6 : memref<512xi32, #tpu.memory_space<vmem>>) target_semaphore(%arg33 : memref<!tpu.dma_semaphore, #tpu.memory_space<semaphore_mem>>)
      %dma_start3A_25 = arith.constant 3 : i32
      %dma_start3A_26 = arith.constant 0 : i32
      %dma_start3A_27 = tpu.memref_slice %arg3[%dma_start3A_25, %add3A_4, %dma_start3A_26] : memref<5x32x512xi32, #tpu.memory_space<hbm>> -> memref<1x1x512xi32, #tpu.memory_space<hbm>>
      %dma_start3A_28 = tpu.memref_squeeze %dma_start3A_27 : memref<1x1x512xi32, #tpu.memory_space<hbm>> -> memref<512xi32, #tpu.memory_space<hbm>>
      %dma_start3A_29 = arith.constant 0 : i32
      %dma_start3A_30 = tpu.memref_slice %arg3[%dma_start3A_25, %add3A_4, %dma_start3A_29] : memref<5x32x512xi32, #tpu.memory_space<hbm>> -> memref<1x1x512xi32, #tpu.memory_space<hbm>>
      %dma_start3A_31 = tpu.memref_squeeze %dma_start3A_30 : memref<1x1x512xi32, #tpu.memory_space<hbm>> -> memref<512xi32, #tpu.memory_space<hbm>>
      tpu.enqueue_dma source(%dma_start3A_31 : memref<512xi32, #tpu.memory_space<hbm>>) target(%arg8 : memref<512xi32, #tpu.memory_space<vmem>>) target_semaphore(%arg33 : memref<!tpu.dma_semaphore, #tpu.memory_space<semaphore_mem>>)
      %dma_start3A_32 = arith.constant 4 : i32
      %dma_start3A_33 = arith.constant 0 : i32
      %dma_start3A_34 = tpu.memref_slice %arg3[%dma_start3A_32, %add3A_4, %dma_start3A_33] : memref<5x32x512xi32, #tpu.memory_space<hbm>> -> memref<1x1x512xi32, #tpu.memory_space<hbm>>
      %dma_start3A_35 = tpu.memref_squeeze %dma_start3A_34 : memref<1x1x512xi32, #tpu.memory_space<hbm>> -> memref<512xi32, #tpu.memory_space<hbm>>
      %dma_start3A_36 = arith.constant 0 : i32
      %dma_start3A_37 = tpu.memref_slice %arg3[%dma_start3A_32, %add3A_4, %dma_start3A_36] : memref<5x32x512xi32, #tpu.memory_space<hbm>> -> memref<1x1x512xi32, #tpu.memory_space<hbm>>
      %dma_start3A_38 = tpu.memref_squeeze %dma_start3A_37 : memref<1x1x512xi32, #tpu.memory_space<hbm>> -> memref<512xi32, #tpu.memory_space<hbm>>
      tpu.enqueue_dma source(%dma_start3A_38 : memref<512xi32, #tpu.memory_space<hbm>>) target(%arg9 : memref<512xi32, #tpu.memory_space<vmem>>) target_semaphore(%arg33 : memref<!tpu.dma_semaphore, #tpu.memory_space<semaphore_mem>>)
      %mul3A_39 = arith.constant 2 : i32
      %mul3A_40 = arith.muli %arg1, %mul3A_39 : i32
      %add3A_41 = arith.constant 1 : i32
      %add3A_42 = arith.addi %mul3A_40, %add3A_41 : i32
      %dma_start3A_43 = arith.constant 2 : i32
      %dma_start3A_44 = arith.constant 0 : i32
      %dma_start3A_45 = tpu.memref_slice %arg3[%dma_start3A_43, %add3A_42, %dma_start3A_44] : memref<5x32x512xi32, #tpu.memory_space<hbm>> -> memref<1x1x512xi32, #tpu.memory_space<hbm>>
      %dma_start3A_46 = tpu.memref_squeeze %dma_start3A_45 : memref<1x1x512xi32, #tpu.memory_space<hbm>> -> memref<512xi32, #tpu.memory_space<hbm>>
      %dma_start3A_47 = arith.constant 0 : i32
      %dma_start3A_48 = tpu.memref_slice %arg3[%dma_start3A_43, %add3A_42, %dma_start3A_47] : memref<5x32x512xi32, #tpu.memory_space<hbm>> -> memref<1x1x512xi32, #tpu.memory_space<hbm>>
      %dma_start3A_49 = tpu.memref_squeeze %dma_start3A_48 : memref<1x1x512xi32, #tpu.memory_space<hbm>> -> memref<512xi32, #tpu.memory_space<hbm>>
      tpu.enqueue_dma source(%dma_start3A_49 : memref<512xi32, #tpu.memory_space<hbm>>) target(%arg19 : memref<512xi32, #tpu.memory_space<vmem>>) target_semaphore(%arg34 : memref<!tpu.dma_semaphore, #tpu.memory_space<semaphore_mem>>)
      %dma_start3A_50 = arith.constant 0 : i32
      %dma_start3A_51 = arith.constant 0 : i32
      %dma_start3A_52 = tpu.memref_slice %arg3[%dma_start3A_50, %add3A_42, %dma_start3A_51] : memref<5x32x512xi32, #tpu.memory_space<hbm>> -> memref<1x1x512xi32, #tpu.memory_space<hbm>>
      %dma_start3A_53 = tpu.memref_squeeze %dma_start3A_52 : memref<1x1x512xi32, #tpu.memory_space<hbm>> -> memref<512xi32, #tpu.memory_space<hbm>>
      %dma_start3A_54 = arith.constant 0 : i32
      %dma_start3A_55 = tpu.memref_slice %arg3[%dma_start3A_50, %add3A_42, %dma_start3A_54] : memref<5x32x512xi32, #tpu.memory_space<hbm>> -> memref<1x1x512xi32, #tpu.memory_space<hbm>>
      %dma_start3A_56 = tpu.memref_squeeze %dma_start3A_55 : memref<1x1x512xi32, #tpu.memory_space<hbm>> -> memref<512xi32, #tpu.memory_space<hbm>>
      tpu.enqueue_dma source(%dma_start3A_56 : memref<512xi32, #tpu.memory_space<hbm>>) target(%arg17 : memref<512xi32, #tpu.memory_space<vmem>>) target_semaphore(%arg33 : memref<!tpu.dma_semaphore, #tpu.memory_space<semaphore_mem>>)
      %dma_start3A_57 = arith.constant 1 : i32
      %dma_start3A_58 = arith.constant 0 : i32
      %dma_start3A_59 = tpu.memref_slice %arg3[%dma_start3A_57, %add3A_42, %dma_start3A_58] : memref<5x32x512xi32, #tpu.memory_space<hbm>> -> memref<1x1x512xi32, #tpu.memory_space<hbm>>
      %dma_start3A_60 = tpu.memref_squeeze %dma_start3A_59 : memref<1x1x512xi32, #tpu.memory_space<hbm>> -> memref<512xi32, #tpu.memory_space<hbm>>
      %dma_start3A_61 = arith.constant 0 : i32
      %dma_start3A_62 = tpu.memref_slice %arg3[%dma_start3A_57, %add3A_42, %dma_start3A_61] : memref<5x32x512xi32, #tpu.memory_space<hbm>> -> memref<1x1x512xi32, #tpu.memory_space<hbm>>
      %dma_start3A_63 = tpu.memref_squeeze %dma_start3A_62 : memref<1x1x512xi32, #tpu.memory_space<hbm>> -> memref<512xi32, #tpu.memory_space<hbm>>
      tpu.enqueue_dma source(%dma_start3A_63 : memref<512xi32, #tpu.memory_space<hbm>>) target(%arg18 : memref<512xi32, #tpu.memory_space<vmem>>) target_semaphore(%arg33 : memref<!tpu.dma_semaphore, #tpu.memory_space<semaphore_mem>>)
      %dma_start3A_64 = arith.constant 3 : i32
      %dma_start3A_65 = arith.constant 0 : i32
      %dma_start3A_66 = tpu.memref_slice %arg3[%dma_start3A_64, %add3A_42, %dma_start3A_65] : memref<5x32x512xi32, #tpu.memory_space<hbm>> -> memref<1x1x512xi32, #tpu.memory_space<hbm>>
      %dma_start3A_67 = tpu.memref_squeeze %dma_start3A_66 : memref<1x1x512xi32, #tpu.memory_space<hbm>> -> memref<512xi32, #tpu.memory_space<hbm>>
      %dma_start3A_68 = arith.constant 0 : i32
      %dma_start3A_69 = tpu.memref_slice %arg3[%dma_start3A_64, %add3A_42, %dma_start3A_68] : memref<5x32x512xi32, #tpu.memory_space<hbm>> -> memref<1x1x512xi32, #tpu.memory_space<hbm>>
      %dma_start3A_70 = tpu.memref_squeeze %dma_start3A_69 : memref<1x1x512xi32, #tpu.memory_space<hbm>> -> memref<512xi32, #tpu.memory_space<hbm>>
      tpu.enqueue_dma source(%dma_start3A_70 : memref<512xi32, #tpu.memory_space<hbm>>) target(%arg20 : memref<512xi32, #tpu.memory_space<vmem>>) target_semaphore(%arg33 : memref<!tpu.dma_semaphore, #tpu.memory_space<semaphore_mem>>)
      %dma_start3A_71 = arith.constant 4 : i32
      %dma_start3A_72 = arith.constant 0 : i32
      %dma_start3A_73 = tpu.memref_slice %arg3[%dma_start3A_71, %add3A_42, %dma_start3A_72] : memref<5x32x512xi32, #tpu.memory_space<hbm>> -> memref<1x1x512xi32, #tpu.memory_space<hbm>>
      %dma_start3A_74 = tpu.memref_squeeze %dma_start3A_73 : memref<1x1x512xi32, #tpu.memory_space<hbm>> -> memref<512xi32, #tpu.memory_space<hbm>>
      %dma_start3A_75 = arith.constant 0 : i32
      %dma_start3A_76 = tpu.memref_slice %arg3[%dma_start3A_71, %add3A_42, %dma_start3A_75] : memref<5x32x512xi32, #tpu.memory_space<hbm>> -> memref<1x1x512xi32, #tpu.memory_space<hbm>>
      %dma_start3A_77 = tpu.memref_squeeze %dma_start3A_76 : memref<1x1x512xi32, #tpu.memory_space<hbm>> -> memref<512xi32, #tpu.memory_space<hbm>>
      tpu.enqueue_dma source(%dma_start3A_77 : memref<512xi32, #tpu.memory_space<hbm>>) target(%arg21 : memref<512xi32, #tpu.memory_space<vmem>>) target_semaphore(%arg33 : memref<!tpu.dma_semaphore, #tpu.memory_space<semaphore_mem>>)
      %dma_wait3A = arith.constant 2 : i32
      %dma_wait3A_78 = arith.constant 0 : i32
      %dma_wait3A_79 = tpu.memref_slice %arg3[%dma_wait3A, %add3A_4, %dma_wait3A_78] : memref<5x32x512xi32, #tpu.memory_space<hbm>> -> memref<1x1x512xi32, #tpu.memory_space<hbm>>
      %dma_wait3A_80 = tpu.memref_squeeze %dma_wait3A_79 : memref<1x1x512xi32, #tpu.memory_space<hbm>> -> memref<512xi32, #tpu.memory_space<hbm>>
      %dma_wait3A_81 = arith.constant 0 : i32
      %dma_wait3A_82 = tpu.memref_slice %arg3[%dma_wait3A, %add3A_4, %dma_wait3A_81] : memref<5x32x512xi32, #tpu.memory_space<hbm>> -> memref<1x1x512xi32, #tpu.memory_space<hbm>>
      %dma_wait3A_83 = tpu.memref_squeeze %dma_wait3A_82 : memref<1x1x512xi32, #tpu.memory_space<hbm>> -> memref<512xi32, #tpu.memory_space<hbm>>
      tpu.wait_dma2 semaphore(%arg34 : memref<!tpu.dma_semaphore, #tpu.memory_space<semaphore_mem>>) src(%dma_wait3A_83 : memref<512xi32, #tpu.memory_space<hbm>>) dst(%arg7 : memref<512xi32, #tpu.memory_space<vmem>>)
      %dma_wait3A_84 = arith.constant 2 : i32
      %dma_wait3A_85 = arith.constant 0 : i32
      %dma_wait3A_86 = tpu.memref_slice %arg3[%dma_wait3A_84, %add3A_42, %dma_wait3A_85] : memref<5x32x512xi32, #tpu.memory_space<hbm>> -> memref<1x1x512xi32, #tpu.memory_space<hbm>>
      %dma_wait3A_87 = tpu.memref_squeeze %dma_wait3A_86 : memref<1x1x512xi32, #tpu.memory_space<hbm>> -> memref<512xi32, #tpu.memory_space<hbm>>
      %dma_wait3A_88 = arith.constant 0 : i32
      %dma_wait3A_89 = tpu.memref_slice %arg3[%dma_wait3A_84, %add3A_42, %dma_wait3A_88] : memref<5x32x512xi32, #tpu.memory_space<hbm>> -> memref<1x1x512xi32, #tpu.memory_space<hbm>>
      %dma_wait3A_90 = tpu.memref_squeeze %dma_wait3A_89 : memref<1x1x512xi32, #tpu.memory_space<hbm>> -> memref<512xi32, #tpu.memory_space<hbm>>
      tpu.wait_dma2 semaphore(%arg34 : memref<!tpu.dma_semaphore, #tpu.memory_space<semaphore_mem>>) src(%dma_wait3A_90 : memref<512xi32, #tpu.memory_space<hbm>>) dst(%arg19 : memref<512xi32, #tpu.memory_space<vmem>>)
      %scan3A = arith.constant 0 : i32
      %scan3A_91 = arith.constant 0 : i32
      %scan3A_92 = arith.constant 32 : i32
      %scan3A_93 = arith.addi %scan3A_91, %scan3A_92 : i32
      %scan3A_94 = arith.constant 1 : i32
      %scan3A_95 = scf.for %scan3A_395 = %scan3A_91 to %scan3A_93 step %scan3A_94 iter_args(%scan3A_396 = %scan3A) -> (i32)  : i32 {
        %mul3A_397 = arith.constant 16 : i32
        %mul3A_398 = arith.muli %scan3A_395, %mul3A_397 : i32
        %mul3A_399 = arith.constant 2 : i32
        %mul3A_400 = arith.muli %arg1, %mul3A_399 : i32
        %add3A_401 = arith.constant 0 : i32
        %add3A_402 = arith.addi %mul3A_400, %add3A_401 : i32
        %mul3A_403 = arith.constant 82688 : i32
        %mul3A_404 = arith.muli %add3A_402, %mul3A_403 : i32
        %get3A = arith.index_cast %mul3A_398 : i32 to index
        %get3A_405 = tpu.vector_load %arg7[%get3A] {strides = array<i32>} : memref<512xi32, #tpu.memory_space<vmem>>, vector<16xi32>,
        %add3A_406 = vector.broadcast %mul3A_404 : i32 to vector<16xi32>
        %add3A_407 = arith.addi %get3A_405, %add3A_406 : vector<16xi32>
        %swap3A_408 = arith.index_cast %mul3A_398 : i32 to index
        %swap3A_409 = tpu.vector_load %arg12[%swap3A_408] {strides = array<i32>} : memref<512xi32, #tpu.memory_space<vmem>>, vector<16xi32>,
        tpu.vector_store %arg12[%swap3A_408], %add3A_407 {strides = array<i32>} : memref<512xi32, #tpu.memory_space<vmem>>, vector<16xi32>,
        %add3A_410 = arith.constant 41344 : i32
        %add3A_411 = arith.addi %mul3A_404, %add3A_410 : i32
        %add3A_412 = vector.broadcast %add3A_411 : i32 to vector<16xi32>
        %add3A_413 = arith.addi %get3A_405, %add3A_412 : vector<16xi32>
        %swap3A_414 = arith.index_cast %mul3A_398 : i32 to index
        %swap3A_415 = tpu.vector_load %arg13[%swap3A_414] {strides = array<i32>} : memref<512xi32, #tpu.memory_space<vmem>>, vector<16xi32>,
        tpu.vector_store %arg13[%swap3A_414], %add3A_413 {strides = array<i32>} : memref<512xi32, #tpu.memory_space<vmem>>, vector<16xi32>,
        %mul3A_416 = arith.constant 2 : i32
        %mul3A_417 = arith.muli %arg1, %mul3A_416 : i32
        %add3A_418 = arith.constant 1 : i32
        %add3A_419 = arith.addi %mul3A_417, %add3A_418 : i32
        %mul3A_420 = arith.constant 82688 : i32
        %mul3A_421 = arith.muli %add3A_419, %mul3A_420 : i32
        %get3A_422 = arith.index_cast %mul3A_398 : i32 to index
        %get3A_423 = tpu.vector_load %arg19[%get3A_422] {strides = array<i32>} : memref<512xi32, #tpu.memory_space<vmem>>, vector<16xi32>,
        %add3A_424 = vector.broadcast %mul3A_421 : i32 to vector<16xi32>
        %add3A_425 = arith.addi %get3A_423, %add3A_424 : vector<16xi32>
        %swap3A_426 = arith.index_cast %mul3A_398 : i32 to index
        %swap3A_427 = tpu.vector_load %arg24[%swap3A_426] {strides = array<i32>} : memref<512xi32, #tpu.memory_space<vmem>>, vector<16xi32>,
        tpu.vector_store %arg24[%swap3A_426], %add3A_425 {strides = array<i32>} : memref<512xi32, #tpu.memory_space<vmem>>, vector<16xi32>,
        %add3A_428 = arith.constant 41344 : i32
        %add3A_429 = arith.addi %mul3A_421, %add3A_428 : i32
        %add3A_430 = vector.broadcast %add3A_429 : i32 to vector<16xi32>
        %add3A_431 = arith.addi %get3A_423, %add3A_430 : vector<16xi32>
        %swap3A_432 = arith.index_cast %mul3A_398 : i32 to index
        %swap3A_433 = tpu.vector_load %arg25[%swap3A_432] {strides = array<i32>} : memref<512xi32, #tpu.memory_space<vmem>>, vector<16xi32>,
        tpu.vector_store %arg25[%swap3A_432], %add3A_431 {strides = array<i32>} : memref<512xi32, #tpu.memory_space<vmem>>, vector<16xi32>,
        %scan3A_434 = arith.constant 0 : i32
        scf.yield %scan3A_434 : i32
      }
      %scan3A_96 = arith.constant 32 : i32
      %dma_start3A_97 = arith.constant 0 : i32
      %dma_start3A_98 = tpu.memref_slice %arg14[%dma_start3A_97] : memref<512xf32, #tpu.memory_space<vmem>> -> memref<128xf32, #tpu.memory_space<vmem>>
      %dma_start3A_99 = arith.constant 0 : i32
      %dma_start3A_100 = tpu.memref_slice %arg12[%dma_start3A_99] : memref<512xi32, #tpu.memory_space<vmem>> -> memref<128xi32, #tpu.memory_space<vmem>>
      %dma_start3A_101 = arith.constant 0 : i32
      %dma_start3A_102 = tpu.memref_slice %arg2[%dma_start3A_101] : memref<2646016xf32, #tpu.memory_space<hbm>> -> memref<2646016xf32, #tpu.memory_space<hbm>>
      tpu.enqueue_indirect_dma source(%dma_start3A_102 : memref<2646016xf32, #tpu.memory_space<hbm>>) target(%dma_start3A_98 : memref<128xf32, #tpu.memory_space<vmem>>) offsets(%dma_start3A_100 : memref<128xi32, #tpu.memory_space<vmem>>) semaphore(%arg35 : memref<!tpu.dma_semaphore, #tpu.memory_space<semaphore_mem>>)
      %dma_start3A_103 = arith.constant 0 : i32
      %dma_start3A_104 = tpu.memref_slice %arg15[%dma_start3A_103] : memref<512xf32, #tpu.memory_space<vmem>> -> memref<128xf32, #tpu.memory_space<vmem>>
      %dma_start3A_105 = arith.constant 0 : i32
      %dma_start3A_106 = tpu.memref_slice %arg13[%dma_start3A_105] : memref<512xi32, #tpu.memory_space<vmem>> -> memref<128xi32, #tpu.memory_space<vmem>>
      %dma_start3A_107 = arith.constant 0 : i32
      %dma_start3A_108 = tpu.memref_slice %arg2[%dma_start3A_107] : memref<2646016xf32, #tpu.memory_space<hbm>> -> memref<2646016xf32, #tpu.memory_space<hbm>>
      tpu.enqueue_indirect_dma source(%dma_start3A_108 : memref<2646016xf32, #tpu.memory_space<hbm>>) target(%dma_start3A_104 : memref<128xf32, #tpu.memory_space<vmem>>) offsets(%dma_start3A_106 : memref<128xi32, #tpu.memory_space<vmem>>) semaphore(%arg35 : memref<!tpu.dma_semaphore, #tpu.memory_space<semaphore_mem>>)
      %dma_start3A_109 = arith.constant 128 : i32
      %dma_start3A_110 = tpu.memref_slice %arg14[%dma_start3A_109] : memref<512xf32, #tpu.memory_space<vmem>> -> memref<128xf32, #tpu.memory_space<vmem>>
      %dma_start3A_111 = arith.constant 128 : i32
      %dma_start3A_112 = tpu.memref_slice %arg12[%dma_start3A_111] : memref<512xi32, #tpu.memory_space<vmem>> -> memref<128xi32, #tpu.memory_space<vmem>>
      %dma_start3A_113 = arith.constant 0 : i32
      %dma_start3A_114 = tpu.memref_slice %arg2[%dma_start3A_113] : memref<2646016xf32, #tpu.memory_space<hbm>> -> memref<2646016xf32, #tpu.memory_space<hbm>>
      tpu.enqueue_indirect_dma source(%dma_start3A_114 : memref<2646016xf32, #tpu.memory_space<hbm>>) target(%dma_start3A_110 : memref<128xf32, #tpu.memory_space<vmem>>) offsets(%dma_start3A_112 : memref<128xi32, #tpu.memory_space<vmem>>) semaphore(%arg35 : memref<!tpu.dma_semaphore, #tpu.memory_space<semaphore_mem>>)
      %dma_start3A_115 = arith.constant 128 : i32
      %dma_start3A_116 = tpu.memref_slice %arg15[%dma_start3A_115] : memref<512xf32, #tpu.memory_space<vmem>> -> memref<128xf32, #tpu.memory_space<vmem>>
      %dma_start3A_117 = arith.constant 128 : i32
      %dma_start3A_118 = tpu.memref_slice %arg13[%dma_start3A_117] : memref<512xi32, #tpu.memory_space<vmem>> -> memref<128xi32, #tpu.memory_space<vmem>>
      %dma_start3A_119 = arith.constant 0 : i32
      %dma_start3A_120 = tpu.memref_slice %arg2[%dma_start3A_119] : memref<2646016xf32, #tpu.memory_space<hbm>> -> memref<2646016xf32, #tpu.memory_space<hbm>>
      tpu.enqueue_indirect_dma source(%dma_start3A_120 : memref<2646016xf32, #tpu.memory_space<hbm>>) target(%dma_start3A_116 : memref<128xf32, #tpu.memory_space<vmem>>) offsets(%dma_start3A_118 : memref<128xi32, #tpu.memory_space<vmem>>) semaphore(%arg35 : memref<!tpu.dma_semaphore, #tpu.memory_space<semaphore_mem>>)
      %dma_start3A_121 = arith.constant 256 : i32
      %dma_start3A_122 = tpu.memref_slice %arg14[%dma_start3A_121] : memref<512xf32, #tpu.memory_space<vmem>> -> memref<128xf32, #tpu.memory_space<vmem>>
      %dma_start3A_123 = arith.constant 256 : i32
      %dma_start3A_124 = tpu.memref_slice %arg12[%dma_start3A_123] : memref<512xi32, #tpu.memory_space<vmem>> -> memref<128xi32, #tpu.memory_space<vmem>>
      %dma_start3A_125 = arith.constant 0 : i32
      %dma_start3A_126 = tpu.memref_slice %arg2[%dma_start3A_125] : memref<2646016xf32, #tpu.memory_space<hbm>> -> memref<2646016xf32, #tpu.memory_space<hbm>>
      tpu.enqueue_indirect_dma source(%dma_start3A_126 : memref<2646016xf32, #tpu.memory_space<hbm>>) target(%dma_start3A_122 : memref<128xf32, #tpu.memory_space<vmem>>) offsets(%dma_start3A_124 : memref<128xi32, #tpu.memory_space<vmem>>) semaphore(%arg35 : memref<!tpu.dma_semaphore, #tpu.memory_space<semaphore_mem>>)
      %dma_start3A_127 = arith.constant 256 : i32
      %dma_start3A_128 = tpu.memref_slice %arg15[%dma_start3A_127] : memref<512xf32, #tpu.memory_space<vmem>> -> memref<128xf32, #tpu.memory_space<vmem>>
      %dma_start3A_129 = arith.constant 256 : i32
      %dma_start3A_130 = tpu.memref_slice %arg13[%dma_start3A_129] : memref<512xi32, #tpu.memory_space<vmem>> -> memref<128xi32, #tpu.memory_space<vmem>>
      %dma_start3A_131 = arith.constant 0 : i32
      %dma_start3A_132 = tpu.memref_slice %arg2[%dma_start3A_131] : memref<2646016xf32, #tpu.memory_space<hbm>> -> memref<2646016xf32, #tpu.memory_space<hbm>>
      tpu.enqueue_indirect_dma source(%dma_start3A_132 : memref<2646016xf32, #tpu.memory_space<hbm>>) target(%dma_start3A_128 : memref<128xf32, #tpu.memory_space<vmem>>) offsets(%dma_start3A_130 : memref<128xi32, #tpu.memory_space<vmem>>) semaphore(%arg35 : memref<!tpu.dma_semaphore, #tpu.memory_space<semaphore_mem>>)
      %dma_start3A_133 = arith.constant 384 : i32
      %dma_start3A_134 = tpu.memref_slice %arg14[%dma_start3A_133] : memref<512xf32, #tpu.memory_space<vmem>> -> memref<128xf32, #tpu.memory_space<vmem>>
      %dma_start3A_135 = arith.constant 384 : i32
      %dma_start3A_136 = tpu.memref_slice %arg12[%dma_start3A_135] : memref<512xi32, #tpu.memory_space<vmem>> -> memref<128xi32, #tpu.memory_space<vmem>>
      %dma_start3A_137 = arith.constant 0 : i32
      %dma_start3A_138 = tpu.memref_slice %arg2[%dma_start3A_137] : memref<2646016xf32, #tpu.memory_space<hbm>> -> memref<2646016xf32, #tpu.memory_space<hbm>>
      tpu.enqueue_indirect_dma source(%dma_start3A_138 : memref<2646016xf32, #tpu.memory_space<hbm>>) target(%dma_start3A_134 : memref<128xf32, #tpu.memory_space<vmem>>) offsets(%dma_start3A_136 : memref<128xi32, #tpu.memory_space<vmem>>) semaphore(%arg35 : memref<!tpu.dma_semaphore, #tpu.memory_space<semaphore_mem>>)
      %dma_start3A_139 = arith.constant 384 : i32
      %dma_start3A_140 = tpu.memref_slice %arg15[%dma_start3A_139] : memref<512xf32, #tpu.memory_space<vmem>> -> memref<128xf32, #tpu.memory_space<vmem>>
      %dma_start3A_141 = arith.constant 384 : i32
      %dma_start3A_142 = tpu.memref_slice %arg13[%dma_start3A_141] : memref<512xi32, #tpu.memory_space<vmem>> -> memref<128xi32, #tpu.memory_space<vmem>>
      %dma_start3A_143 = arith.constant 0 : i32
      %dma_start3A_144 = tpu.memref_slice %arg2[%dma_start3A_143] : memref<2646016xf32, #tpu.memory_space<hbm>> -> memref<2646016xf32, #tpu.memory_space<hbm>>
      tpu.enqueue_indirect_dma source(%dma_start3A_144 : memref<2646016xf32, #tpu.memory_space<hbm>>) target(%dma_start3A_140 : memref<128xf32, #tpu.memory_space<vmem>>) offsets(%dma_start3A_142 : memref<128xi32, #tpu.memory_space<vmem>>) semaphore(%arg35 : memref<!tpu.dma_semaphore, #tpu.memory_space<semaphore_mem>>)
      %dma_start3A_145 = arith.constant 0 : i32
      %dma_start3A_146 = tpu.memref_slice %arg26[%dma_start3A_145] : memref<512xf32, #tpu.memory_space<vmem>> -> memref<128xf32, #tpu.memory_space<vmem>>
      %dma_start3A_147 = arith.constant 0 : i32
      %dma_start3A_148 = tpu.memref_slice %arg24[%dma_start3A_147] : memref<512xi32, #tpu.memory_space<vmem>> -> memref<128xi32, #tpu.memory_space<vmem>>
      %dma_start3A_149 = arith.constant 0 : i32
      %dma_start3A_150 = tpu.memref_slice %arg2[%dma_start3A_149] : memref<2646016xf32, #tpu.memory_space<hbm>> -> memref<2646016xf32, #tpu.memory_space<hbm>>
      tpu.enqueue_indirect_dma source(%dma_start3A_150 : memref<2646016xf32, #tpu.memory_space<hbm>>) target(%dma_start3A_146 : memref<128xf32, #tpu.memory_space<vmem>>) offsets(%dma_start3A_148 : memref<128xi32, #tpu.memory_space<vmem>>) semaphore(%arg35 : memref<!tpu.dma_semaphore, #tpu.memory_space<semaphore_mem>>)
      %dma_start3A_151 = arith.constant 0 : i32
      %dma_start3A_152 = tpu.memref_slice %arg27[%dma_start3A_151] : memref<512xf32, #tpu.memory_space<vmem>> -> memref<128xf32, #tpu.memory_space<vmem>>
      %dma_start3A_153 = arith.constant 0 : i32
      %dma_start3A_154 = tpu.memref_slice %arg25[%dma_start3A_153] : memref<512xi32, #tpu.memory_space<vmem>> -> memref<128xi32, #tpu.memory_space<vmem>>
      %dma_start3A_155 = arith.constant 0 : i32
      %dma_start3A_156 = tpu.memref_slice %arg2[%dma_start3A_155] : memref<2646016xf32, #tpu.memory_space<hbm>> -> memref<2646016xf32, #tpu.memory_space<hbm>>
      tpu.enqueue_indirect_dma source(%dma_start3A_156 : memref<2646016xf32, #tpu.memory_space<hbm>>) target(%dma_start3A_152 : memref<128xf32, #tpu.memory_space<vmem>>) offsets(%dma_start3A_154 : memref<128xi32, #tpu.memory_space<vmem>>) semaphore(%arg35 : memref<!tpu.dma_semaphore, #tpu.memory_space<semaphore_mem>>)
      %dma_start3A_157 = arith.constant 128 : i32
      %dma_start3A_158 = tpu.memref_slice %arg26[%dma_start3A_157] : memref<512xf32, #tpu.memory_space<vmem>> -> memref<128xf32, #tpu.memory_space<vmem>>
      %dma_start3A_159 = arith.constant 128 : i32
      %dma_start3A_160 = tpu.memref_slice %arg24[%dma_start3A_159] : memref<512xi32, #tpu.memory_space<vmem>> -> memref<128xi32, #tpu.memory_space<vmem>>
      %dma_start3A_161 = arith.constant 0 : i32
      %dma_start3A_162 = tpu.memref_slice %arg2[%dma_start3A_161] : memref<2646016xf32, #tpu.memory_space<hbm>> -> memref<2646016xf32, #tpu.memory_space<hbm>>
      tpu.enqueue_indirect_dma source(%dma_start3A_162 : memref<2646016xf32, #tpu.memory_space<hbm>>) target(%dma_start3A_158 : memref<128xf32, #tpu.memory_space<vmem>>) offsets(%dma_start3A_160 : memref<128xi32, #tpu.memory_space<vmem>>) semaphore(%arg35 : memref<!tpu.dma_semaphore, #tpu.memory_space<semaphore_mem>>)
      %dma_start3A_163 = arith.constant 128 : i32
      %dma_start3A_164 = tpu.memref_slice %arg27[%dma_start3A_163] : memref<512xf32, #tpu.memory_space<vmem>> -> memref<128xf32, #tpu.memory_space<vmem>>
      %dma_start3A_165 = arith.constant 128 : i32
      %dma_start3A_166 = tpu.memref_slice %arg25[%dma_start3A_165] : memref<512xi32, #tpu.memory_space<vmem>> -> memref<128xi32, #tpu.memory_space<vmem>>
      %dma_start3A_167 = arith.constant 0 : i32
      %dma_start3A_168 = tpu.memref_slice %arg2[%dma_start3A_167] : memref<2646016xf32, #tpu.memory_space<hbm>> -> memref<2646016xf32, #tpu.memory_space<hbm>>
      tpu.enqueue_indirect_dma source(%dma_start3A_168 : memref<2646016xf32, #tpu.memory_space<hbm>>) target(%dma_start3A_164 : memref<128xf32, #tpu.memory_space<vmem>>) offsets(%dma_start3A_166 : memref<128xi32, #tpu.memory_space<vmem>>) semaphore(%arg35 : memref<!tpu.dma_semaphore, #tpu.memory_space<semaphore_mem>>)
      %dma_start3A_169 = arith.constant 256 : i32
      %dma_start3A_170 = tpu.memref_slice %arg26[%dma_start3A_169] : memref<512xf32, #tpu.memory_space<vmem>> -> memref<128xf32, #tpu.memory_space<vmem>>
      %dma_start3A_171 = arith.constant 256 : i32
      %dma_start3A_172 = tpu.memref_slice %arg24[%dma_start3A_171] : memref<512xi32, #tpu.memory_space<vmem>> -> memref<128xi32, #tpu.memory_space<vmem>>
      %dma_start3A_173 = arith.constant 0 : i32
      %dma_start3A_174 = tpu.memref_slice %arg2[%dma_start3A_173] : memref<2646016xf32, #tpu.memory_space<hbm>> -> memref<2646016xf32, #tpu.memory_space<hbm>>
      tpu.enqueue_indirect_dma source(%dma_start3A_174 : memref<2646016xf32, #tpu.memory_space<hbm>>) target(%dma_start3A_170 : memref<128xf32, #tpu.memory_space<vmem>>) offsets(%dma_start3A_172 : memref<128xi32, #tpu.memory_space<vmem>>) semaphore(%arg35 : memref<!tpu.dma_semaphore, #tpu.memory_space<semaphore_mem>>)
      %dma_start3A_175 = arith.constant 256 : i32
      %dma_start3A_176 = tpu.memref_slice %arg27[%dma_start3A_175] : memref<512xf32, #tpu.memory_space<vmem>> -> memref<128xf32, #tpu.memory_space<vmem>>
      %dma_start3A_177 = arith.constant 256 : i32
      %dma_start3A_178 = tpu.memref_slice %arg25[%dma_start3A_177] : memref<512xi32, #tpu.memory_space<vmem>> -> memref<128xi32, #tpu.memory_space<vmem>>
      %dma_start3A_179 = arith.constant 0 : i32
      %dma_start3A_180 = tpu.memref_slice %arg2[%dma_start3A_179] : memref<2646016xf32, #tpu.memory_space<hbm>> -> memref<2646016xf32, #tpu.memory_space<hbm>>
      tpu.enqueue_indirect_dma source(%dma_start3A_180 : memref<2646016xf32, #tpu.memory_space<hbm>>) target(%dma_start3A_176 : memref<128xf32, #tpu.memory_space<vmem>>) offsets(%dma_start3A_178 : memref<128xi32, #tpu.memory_space<vmem>>) semaphore(%arg35 : memref<!tpu.dma_semaphore, #tpu.memory_space<semaphore_mem>>)
      %dma_start3A_181 = arith.constant 384 : i32
      %dma_start3A_182 = tpu.memref_slice %arg26[%dma_start3A_181] : memref<512xf32, #tpu.memory_space<vmem>> -> memref<128xf32, #tpu.memory_space<vmem>>
      %dma_start3A_183 = arith.constant 384 : i32
      %dma_start3A_184 = tpu.memref_slice %arg24[%dma_start3A_183] : memref<512xi32, #tpu.memory_space<vmem>> -> memref<128xi32, #tpu.memory_space<vmem>>
      %dma_start3A_185 = arith.constant 0 : i32
      %dma_start3A_186 = tpu.memref_slice %arg2[%dma_start3A_185] : memref<2646016xf32, #tpu.memory_space<hbm>> -> memref<2646016xf32, #tpu.memory_space<hbm>>
      tpu.enqueue_indirect_dma source(%dma_start3A_186 : memref<2646016xf32, #tpu.memory_space<hbm>>) target(%dma_start3A_182 : memref<128xf32, #tpu.memory_space<vmem>>) offsets(%dma_start3A_184 : memref<128xi32, #tpu.memory_space<vmem>>) semaphore(%arg35 : memref<!tpu.dma_semaphore, #tpu.memory_space<semaphore_mem>>)
      %dma_start3A_187 = arith.constant 384 : i32
      %dma_start3A_188 = tpu.memref_slice %arg27[%dma_start3A_187] : memref<512xf32, #tpu.memory_space<vmem>> -> memref<128xf32, #tpu.memory_space<vmem>>
      %dma_start3A_189 = arith.constant 384 : i32
      %dma_start3A_190 = tpu.memref_slice %arg25[%dma_start3A_189] : memref<512xi32, #tpu.memory_space<vmem>> -> memref<128xi32, #tpu.memory_space<vmem>>
      %dma_start3A_191 = arith.constant 0 : i32
      %dma_start3A_192 = tpu.memref_slice %arg2[%dma_start3A_191] : memref<2646016xf32, #tpu.memory_space<hbm>> -> memref<2646016xf32, #tpu.memory_space<hbm>>
      tpu.enqueue_indirect_dma source(%dma_start3A_192 : memref<2646016xf32, #tpu.memory_space<hbm>>) target(%dma_start3A_188 : memref<128xf32, #tpu.memory_space<vmem>>) offsets(%dma_start3A_190 : memref<128xi32, #tpu.memory_space<vmem>>) semaphore(%arg35 : memref<!tpu.dma_semaphore, #tpu.memory_space<semaphore_mem>>)
      %scan3A_193 = arith.constant 0 : i32
      %scan3A_194 = arith.constant 0 : i32
      %scan3A_195 = arith.constant 38 : i32
      %scan3A_196 = arith.addi %scan3A_194, %scan3A_195 : i32
      %scan3A_197 = arith.constant 1 : i32
      %scan3A_198 = scf.for %scan3A_395 = %scan3A_194 to %scan3A_196 step %scan3A_197 iter_args(%scan3A_396 = %scan3A_193) -> (i32)  : i32 {
        %broadcast_in_dim3A_397 = arith.constant 0 : i32
        %broadcast_in_dim3A_398 = vector.broadcast %broadcast_in_dim3A_397 : i32 to vector<16xi32>
        %mul3A_399 = arith.constant 16 : i32
        %mul3A_400 = arith.muli %scan3A_395, %mul3A_399 : i32
        %swap3A_401 = arith.index_cast %mul3A_400 : i32 to index
        %swap3A_402 = tpu.vector_load %arg10[%swap3A_401] {strides = array<i32>} : memref<608xi32, #tpu.memory_space<vmem>>, vector<16xi32>,
        tpu.vector_store %arg10[%swap3A_401], %broadcast_in_dim3A_398 {strides = array<i32>} : memref<608xi32, #tpu.memory_space<vmem>>, vector<16xi32>,
        %broadcast_in_dim3A_403 = arith.constant -1 : i32
        %broadcast_in_dim3A_404 = vector.broadcast %broadcast_in_dim3A_403 : i32 to vector<16xi32>
        %mul3A_405 = arith.constant 16 : i32
        %mul3A_406 = arith.muli %scan3A_395, %mul3A_405 : i32
        %swap3A_407 = arith.index_cast %mul3A_406 : i32 to index
        %swap3A_408 = tpu.vector_load %arg11[%swap3A_407] {strides = array<i32>} : memref<608xi32, #tpu.memory_space<vmem>>, vector<16xi32>,
        tpu.vector_store %arg11[%swap3A_407], %broadcast_in_dim3A_404 {strides = array<i32>} : memref<608xi32, #tpu.memory_space<vmem>>, vector<16xi32>,
        %broadcast_in_dim3A_409 = arith.constant 0 : i32
        %broadcast_in_dim3A_410 = vector.broadcast %broadcast_in_dim3A_409 : i32 to vector<16xi32>
        %mul3A_411 = arith.constant 16 : i32
        %mul3A_412 = arith.muli %scan3A_395, %mul3A_411 : i32
        %swap3A_413 = arith.index_cast %mul3A_412 : i32 to index
        %swap3A_414 = tpu.vector_load %arg22[%swap3A_413] {strides = array<i32>} : memref<608xi32, #tpu.memory_space<vmem>>, vector<16xi32>,
        tpu.vector_store %arg22[%swap3A_413], %broadcast_in_dim3A_410 {strides = array<i32>} : memref<608xi32, #tpu.memory_space<vmem>>, vector<16xi32>,
        %broadcast_in_dim3A_415 = arith.constant -1 : i32
        %broadcast_in_dim3A_416 = vector.broadcast %broadcast_in_dim3A_415 : i32 to vector<16xi32>
        %mul3A_417 = arith.constant 16 : i32
        %mul3A_418 = arith.muli %scan3A_395, %mul3A_417 : i32
        %swap3A_419 = arith.index_cast %mul3A_418 : i32 to index
        %swap3A_420 = tpu.vector_load %arg23[%swap3A_419] {strides = array<i32>} : memref<608xi32, #tpu.memory_space<vmem>>, vector<16xi32>,
        tpu.vector_store %arg23[%swap3A_419], %broadcast_in_dim3A_416 {strides = array<i32>} : memref<608xi32, #tpu.memory_space<vmem>>, vector<16xi32>,
        %scan3A_421 = arith.constant 0 : i32
        scf.yield %scan3A_421 : i32
      }
      %scan3A_199 = arith.constant 38 : i32
      %dma_wait3A_200 = arith.constant 0 : i32
      %dma_wait3A_201 = arith.constant 0 : i32
      %dma_wait3A_202 = tpu.memref_slice %arg3[%dma_wait3A_200, %add3A_4, %dma_wait3A_201] : memref<5x32x512xi32, #tpu.memory_space<hbm>> -> memref<1x1x512xi32, #tpu.memory_space<hbm>>
      %dma_wait3A_203 = tpu.memref_squeeze %dma_wait3A_202 : memref<1x1x512xi32, #tpu.memory_space<hbm>> -> memref<512xi32, #tpu.memory_space<hbm>>
      %dma_wait3A_204 = arith.constant 0 : i32
      %dma_wait3A_205 = tpu.memref_slice %arg3[%dma_wait3A_200, %add3A_4, %dma_wait3A_204] : memref<5x32x512xi32, #tpu.memory_space<hbm>> -> memref<1x1x512xi32, #tpu.memory_space<hbm>>
      %dma_wait3A_206 = tpu.memref_squeeze %dma_wait3A_205 : memref<1x1x512xi32, #tpu.memory_space<hbm>> -> memref<512xi32, #tpu.memory_space<hbm>>
      tpu.wait_dma2 semaphore(%arg33 : memref<!tpu.dma_semaphore, #tpu.memory_space<semaphore_mem>>) src(%dma_wait3A_206 : memref<512xi32, #tpu.memory_space<hbm>>) dst(%arg5 : memref<512xi32, #tpu.memory_space<vmem>>)
      %dma_wait3A_207 = arith.constant 1 : i32
      %dma_wait3A_208 = arith.constant 0 : i32
      %dma_wait3A_209 = tpu.memref_slice %arg3[%dma_wait3A_207, %add3A_4, %dma_wait3A_208] : memref<5x32x512xi32, #tpu.memory_space<hbm>> -> memref<1x1x512xi32, #tpu.memory_space<hbm>>
      %dma_wait3A_210 = tpu.memref_squeeze %dma_wait3A_209 : memref<1x1x512xi32, #tpu.memory_space<hbm>> -> memref<512xi32, #tpu.memory_space<hbm>>
      %dma_wait3A_211 = arith.constant 0 : i32
      %dma_wait3A_212 = tpu.memref_slice %arg3[%dma_wait3A_207, %add3A_4, %dma_wait3A_211] : memref<5x32x512xi32, #tpu.memory_space<hbm>> -> memref<1x1x512xi32, #tpu.memory_space<hbm>>
      %dma_wait3A_213 = tpu.memref_squeeze %dma_wait3A_212 : memref<1x1x512xi32, #tpu.memory_space<hbm>> -> memref<512xi32, #tpu.memory_space<hbm>>
      tpu.wait_dma2 semaphore(%arg33 : memref<!tpu.dma_semaphore, #tpu.memory_space<semaphore_mem>>) src(%dma_wait3A_213 : memref<512xi32, #tpu.memory_space<hbm>>) dst(%arg6 : memref<512xi32, #tpu.memory_space<vmem>>)
      %dma_wait3A_214 = arith.constant 3 : i32
      %dma_wait3A_215 = arith.constant 0 : i32
      %dma_wait3A_216 = tpu.memref_slice %arg3[%dma_wait3A_214, %add3A_4, %dma_wait3A_215] : memref<5x32x512xi32, #tpu.memory_space<hbm>> -> memref<1x1x512xi32, #tpu.memory_space<hbm>>
      %dma_wait3A_217 = tpu.memref_squeeze %dma_wait3A_216 : memref<1x1x512xi32, #tpu.memory_space<hbm>> -> memref<512xi32, #tpu.memory_space<hbm>>
      %dma_wait3A_218 = arith.constant 0 : i32
      %dma_wait3A_219 = tpu.memref_slice %arg3[%dma_wait3A_214, %add3A_4, %dma_wait3A_218] : memref<5x32x512xi32, #tpu.memory_space<hbm>> -> memref<1x1x512xi32, #tpu.memory_space<hbm>>
      %dma_wait3A_220 = tpu.memref_squeeze %dma_wait3A_219 : memref<1x1x512xi32, #tpu.memory_space<hbm>> -> memref<512xi32, #tpu.memory_space<hbm>>
      tpu.wait_dma2 semaphore(%arg33 : memref<!tpu.dma_semaphore, #tpu.memory_space<semaphore_mem>>) src(%dma_wait3A_220 : memref<512xi32, #tpu.memory_space<hbm>>) dst(%arg8 : memref<512xi32, #tpu.memory_space<vmem>>)
      %dma_wait3A_221 = arith.constant 4 : i32
      %dma_wait3A_222 = arith.constant 0 : i32
      %dma_wait3A_223 = tpu.memref_slice %arg3[%dma_wait3A_221, %add3A_4, %dma_wait3A_222] : memref<5x32x512xi32, #tpu.memory_space<hbm>> -> memref<1x1x512xi32, #tpu.memory_space<hbm>>
      %dma_wait3A_224 = tpu.memref_squeeze %dma_wait3A_223 : memref<1x1x512xi32, #tpu.memory_space<hbm>> -> memref<512xi32, #tpu.memory_space<hbm>>
      %dma_wait3A_225 = arith.constant 0 : i32
      %dma_wait3A_226 = tpu.memref_slice %arg3[%dma_wait3A_221, %add3A_4, %dma_wait3A_225] : memref<5x32x512xi32, #tpu.memory_space<hbm>> -> memref<1x1x512xi32, #tpu.memory_space<hbm>>
      %dma_wait3A_227 = tpu.memref_squeeze %dma_wait3A_226 : memref<1x1x512xi32, #tpu.memory_space<hbm>> -> memref<512xi32, #tpu.memory_space<hbm>>
      tpu.wait_dma2 semaphore(%arg33 : memref<!tpu.dma_semaphore, #tpu.memory_space<semaphore_mem>>) src(%dma_wait3A_227 : memref<512xi32, #tpu.memory_space<hbm>>) dst(%arg9 : memref<512xi32, #tpu.memory_space<vmem>>)
      %dma_wait3A_228 = arith.constant 0 : i32
      %dma_wait3A_229 = arith.constant 0 : i32
      %dma_wait3A_230 = tpu.memref_slice %arg3[%dma_wait3A_228, %add3A_42, %dma_wait3A_229] : memref<5x32x512xi32, #tpu.memory_space<hbm>> -> memref<1x1x512xi32, #tpu.memory_space<hbm>>
      %dma_wait3A_231 = tpu.memref_squeeze %dma_wait3A_230 : memref<1x1x512xi32, #tpu.memory_space<hbm>> -> memref<512xi32, #tpu.memory_space<hbm>>
      %dma_wait3A_232 = arith.constant 0 : i32
      %dma_wait3A_233 = tpu.memref_slice %arg3[%dma_wait3A_228, %add3A_42, %dma_wait3A_232] : memref<5x32x512xi32, #tpu.memory_space<hbm>> -> memref<1x1x512xi32, #tpu.memory_space<hbm>>
      %dma_wait3A_234 = tpu.memref_squeeze %dma_wait3A_233 : memref<1x1x512xi32, #tpu.memory_space<hbm>> -> memref<512xi32, #tpu.memory_space<hbm>>
      tpu.wait_dma2 semaphore(%arg33 : memref<!tpu.dma_semaphore, #tpu.memory_space<semaphore_mem>>) src(%dma_wait3A_234 : memref<512xi32, #tpu.memory_space<hbm>>) dst(%arg17 : memref<512xi32, #tpu.memory_space<vmem>>)
      %dma_wait3A_235 = arith.constant 1 : i32
      %dma_wait3A_236 = arith.constant 0 : i32
      %dma_wait3A_237 = tpu.memref_slice %arg3[%dma_wait3A_235, %add3A_42, %dma_wait3A_236] : memref<5x32x512xi32, #tpu.memory_space<hbm>> -> memref<1x1x512xi32, #tpu.memory_space<hbm>>
      %dma_wait3A_238 = tpu.memref_squeeze %dma_wait3A_237 : memref<1x1x512xi32, #tpu.memory_space<hbm>> -> memref<512xi32, #tpu.memory_space<hbm>>
      %dma_wait3A_239 = arith.constant 0 : i32
      %dma_wait3A_240 = tpu.memref_slice %arg3[%dma_wait3A_235, %add3A_42, %dma_wait3A_239] : memref<5x32x512xi32, #tpu.memory_space<hbm>> -> memref<1x1x512xi32, #tpu.memory_space<hbm>>
      %dma_wait3A_241 = tpu.memref_squeeze %dma_wait3A_240 : memref<1x1x512xi32, #tpu.memory_space<hbm>> -> memref<512xi32, #tpu.memory_space<hbm>>
      tpu.wait_dma2 semaphore(%arg33 : memref<!tpu.dma_semaphore, #tpu.memory_space<semaphore_mem>>) src(%dma_wait3A_241 : memref<512xi32, #tpu.memory_space<hbm>>) dst(%arg18 : memref<512xi32, #tpu.memory_space<vmem>>)
      %dma_wait3A_242 = arith.constant 3 : i32
      %dma_wait3A_243 = arith.constant 0 : i32
      %dma_wait3A_244 = tpu.memref_slice %arg3[%dma_wait3A_242, %add3A_42, %dma_wait3A_243] : memref<5x32x512xi32, #tpu.memory_space<hbm>> -> memref<1x1x512xi32, #tpu.memory_space<hbm>>
      %dma_wait3A_245 = tpu.memref_squeeze %dma_wait3A_244 : memref<1x1x512xi32, #tpu.memory_space<hbm>> -> memref<512xi32, #tpu.memory_space<hbm>>
      %dma_wait3A_246 = arith.constant 0 : i32
      %dma_wait3A_247 = tpu.memref_slice %arg3[%dma_wait3A_242, %add3A_42, %dma_wait3A_246] : memref<5x32x512xi32, #tpu.memory_space<hbm>> -> memref<1x1x512xi32, #tpu.memory_space<hbm>>
      %dma_wait3A_248 = tpu.memref_squeeze %dma_wait3A_247 : memref<1x1x512xi32, #tpu.memory_space<hbm>> -> memref<512xi32, #tpu.memory_space<hbm>>
      tpu.wait_dma2 semaphore(%arg33 : memref<!tpu.dma_semaphore, #tpu.memory_space<semaphore_mem>>) src(%dma_wait3A_248 : memref<512xi32, #tpu.memory_space<hbm>>) dst(%arg20 : memref<512xi32, #tpu.memory_space<vmem>>)
      %dma_wait3A_249 = arith.constant 4 : i32
      %dma_wait3A_250 = arith.constant 0 : i32
      %dma_wait3A_251 = tpu.memref_slice %arg3[%dma_wait3A_249, %add3A_42, %dma_wait3A_250] : memref<5x32x512xi32, #tpu.memory_space<hbm>> -> memref<1x1x512xi32, #tpu.memory_space<hbm>>
      %dma_wait3A_252 = tpu.memref_squeeze %dma_wait3A_251 : memref<1x1x512xi32, #tpu.memory_space<hbm>> -> memref<512xi32, #tpu.memory_space<hbm>>
      %dma_wait3A_253 = arith.constant 0 : i32
      %dma_wait3A_254 = tpu.memref_slice %arg3[%dma_wait3A_249, %add3A_42, %dma_wait3A_253] : memref<5x32x512xi32, #tpu.memory_space<hbm>> -> memref<1x1x512xi32, #tpu.memory_space<hbm>>
      %dma_wait3A_255 = tpu.memref_squeeze %dma_wait3A_254 : memref<1x1x512xi32, #tpu.memory_space<hbm>> -> memref<512xi32, #tpu.memory_space<hbm>>
      tpu.wait_dma2 semaphore(%arg33 : memref<!tpu.dma_semaphore, #tpu.memory_space<semaphore_mem>>) src(%dma_wait3A_255 : memref<512xi32, #tpu.memory_space<hbm>>) dst(%arg21 : memref<512xi32, #tpu.memory_space<vmem>>)
      %scan3A_256 = arith.constant 0 : i32
      %scan3A_257 = arith.constant 0 : i32
      %scan3A_258 = arith.constant 32 : i32
      %scan3A_259 = arith.addi %scan3A_257, %scan3A_258 : i32
      %scan3A_260 = arith.constant 1 : i32
      %scan3A_261 = scf.for %scan3A_395 = %scan3A_257 to %scan3A_259 step %scan3A_260 iter_args(%scan3A_396 = %scan3A_256) -> (i32)  : i32 {
        %mul3A_397 = arith.constant 16 : i32
        %mul3A_398 = arith.muli %scan3A_395, %mul3A_397 : i32
        %get3A = arith.index_cast %mul3A_398 : i32 to index
        %get3A_399 = tpu.vector_load %arg5[%get3A] {strides = array<i32>} : memref<512xi32, #tpu.memory_space<vmem>>, vector<16xi32>,
        tpu.vector_store_idx %arg10[%get3A_399], %broadcast_in_dim3A_0 {add = true} : memref<608xi32, #tpu.memory_space<vmem>>[vector<16xi32>], vector<16xi32>,
        %get3A_400 = arith.index_cast %mul3A_398 : i32 to index
        %get3A_401 = tpu.vector_load %arg6[%get3A_400] {strides = array<i32>} : memref<512xi32, #tpu.memory_space<vmem>>, vector<16xi32>,
        %mul3A_402 = arith.constant 16 : i32
        %mul3A_403 = vector.broadcast %mul3A_402 : i32 to vector<16xi32>
        %mul3A_404 = arith.muli %get3A_401, %mul3A_403 : vector<16xi32>
        %add3A_405 = arith.addi %mul3A_404, %iota3A : vector<16xi32>
        %sort3A = arith.constant dense<true> : vector<16xi1>
        %sort3A_406, %sort3A_407, %sort3A_408 = tpu.sort %add3A_405, %add3A_405 masked %sort3A : (vector<16xi32>, vector<16xi32>, vector<16xi1>) -> (vector<16xi1>, vector<16xi32>, vector<16xi32>)
        %shift_right_logical3A = arith.constant 4 : i32
        %shift_right_logical3A_409 = vector.broadcast %shift_right_logical3A : i32 to vector<16xi32>
        %shift_right_logical3A_410 = arith.shrui %sort3A_407, %shift_right_logical3A_409 : vector<16xi32>
        %mul3A_411 = arith.constant 16 : i32
        %mul3A_412 = vector.broadcast %mul3A_411 : i32 to vector<16xi32>
        %mul3A_413 = arith.muli %shift_right_logical3A_410, %mul3A_412 : vector<16xi32>
        %sub3A = arith.subi %sort3A_407, %mul3A_413 : vector<16xi32>
        %swap3A_414 = arith.constant 0 : index
        %swap3A_415 = tpu.vector_load %arg16[%swap3A_414] {strides = array<i32>} : memref<16xi32, #tpu.memory_space<vmem>>, vector<16xi32>,
        tpu.vector_store %arg16[%swap3A_414], %shift_right_logical3A_410 {strides = array<i32>} : memref<16xi32, #tpu.memory_space<vmem>>, vector<16xi32>,
        %add3A_416 = arith.constant 1 : i32
        %add3A_417 = vector.broadcast %add3A_416 : i32 to vector<16xi32>
        %add3A_418 = arith.addi %iota3A, %add3A_417 : vector<16xi32>
        %min3A = arith.constant 15 : i32
        %min3A_419 = vector.broadcast %min3A : i32 to vector<16xi32>
        %min3A_420 = arith.minsi %add3A_418, %min3A_419 : vector<16xi32>
        %gather3A = tpu.vector_load_idx %arg16[%min3A_420] : memref<16xi32, #tpu.memory_space<vmem>>[vector<16xi32>], vector<16xi32>,
        %ne3A = arith.cmpi ne, %shift_right_logical3A_410, %gather3A : vector<16xi32>
        %eq3A_421 = arith.constant 15 : i32
        %eq3A_422 = vector.broadcast %eq3A_421 : i32 to vector<16xi32>
        %eq3A_423 = arith.cmpi eq, %iota3A, %eq3A_422 : vector<16xi32>
        %or3A = arith.ori %ne3A, %eq3A_423 : vector<16xi1>
        %mul3A_424 = arith.constant 16 : i32
        %mul3A_425 = arith.muli %scan3A_395, %mul3A_424 : i32
        %add3A_426 = vector.broadcast %mul3A_425 : i32 to vector<16xi32>
        %add3A_427 = arith.addi %add3A_426, %sub3A : vector<16xi32>
        tpu.vector_store_idx %arg11[%shift_right_logical3A_410], %add3A_427 masked %or3A : memref<608xi32, #tpu.memory_space<vmem>>[vector<16xi32>], vector<16xi32>, vector<16xi1>
        %get3A_428 = arith.index_cast %mul3A_398 : i32 to index
        %get3A_429 = tpu.vector_load %arg17[%get3A_428] {strides = array<i32>} : memref<512xi32, #tpu.memory_space<vmem>>, vector<16xi32>,
        tpu.vector_store_idx %arg22[%get3A_429], %broadcast_in_dim3A_0 {add = true} : memref<608xi32, #tpu.memory_space<vmem>>[vector<16xi32>], vector<16xi32>,
        %get3A_430 = arith.index_cast %mul3A_398 : i32 to index
        %get3A_431 = tpu.vector_load %arg18[%get3A_430] {strides = array<i32>} : memref<512xi32, #tpu.memory_space<vmem>>, vector<16xi32>,
        %mul3A_432 = arith.constant 16 : i32
        %mul3A_433 = vector.broadcast %mul3A_432 : i32 to vector<16xi32>
        %mul3A_434 = arith.muli %get3A_431, %mul3A_433 : vector<16xi32>
        %add3A_435 = arith.addi %mul3A_434, %iota3A : vector<16xi32>
        %sort3A_436 = arith.constant dense<true> : vector<16xi1>
        %sort3A_437, %sort3A_438, %sort3A_439 = tpu.sort %add3A_435, %add3A_435 masked %sort3A_436 : (vector<16xi32>, vector<16xi32>, vector<16xi1>) -> (vector<16xi1>, vector<16xi32>, vector<16xi32>)
        %shift_right_logical3A_440 = arith.constant 4 : i32
        %shift_right_logical3A_441 = vector.broadcast %shift_right_logical3A_440 : i32 to vector<16xi32>
        %shift_right_logical3A_442 = arith.shrui %sort3A_438, %shift_right_logical3A_441 : vector<16xi32>
        %mul3A_443 = arith.constant 16 : i32
        %mul3A_444 = vector.broadcast %mul3A_443 : i32 to vector<16xi32>
        %mul3A_445 = arith.muli %shift_right_logical3A_442, %mul3A_444 : vector<16xi32>
        %sub3A_446 = arith.subi %sort3A_438, %mul3A_445 : vector<16xi32>
        %swap3A_447 = arith.constant 0 : index
        %swap3A_448 = tpu.vector_load %arg28[%swap3A_447] {strides = array<i32>} : memref<16xi32, #tpu.memory_space<vmem>>, vector<16xi32>,
        tpu.vector_store %arg28[%swap3A_447], %shift_right_logical3A_442 {strides = array<i32>} : memref<16xi32, #tpu.memory_space<vmem>>, vector<16xi32>,
        %add3A_449 = arith.constant 1 : i32
        %add3A_450 = vector.broadcast %add3A_449 : i32 to vector<16xi32>
        %add3A_451 = arith.addi %iota3A, %add3A_450 : vector<16xi32>
        %min3A_452 = arith.constant 15 : i32
        %min3A_453 = vector.broadcast %min3A_452 : i32 to vector<16xi32>
        %min3A_454 = arith.minsi %add3A_451, %min3A_453 : vector<16xi32>
        %gather3A_455 = tpu.vector_load_idx %arg28[%min3A_454] : memref<16xi32, #tpu.memory_space<vmem>>[vector<16xi32>], vector<16xi32>,
        %ne3A_456 = arith.cmpi ne, %shift_right_logical3A_442, %gather3A_455 : vector<16xi32>
        %eq3A_457 = arith.constant 15 : i32
        %eq3A_458 = vector.broadcast %eq3A_457 : i32 to vector<16xi32>
        %eq3A_459 = arith.cmpi eq, %iota3A, %eq3A_458 : vector<16xi32>
        %or3A_460 = arith.ori %ne3A_456, %eq3A_459 : vector<16xi1>
        %mul3A_461 = arith.constant 16 : i32
        %mul3A_462 = arith.muli %scan3A_395, %mul3A_461 : i32
        %add3A_463 = vector.broadcast %mul3A_462 : i32 to vector<16xi32>
        %add3A_464 = arith.addi %add3A_463, %sub3A_446 : vector<16xi32>
        tpu.vector_store_idx %arg23[%shift_right_logical3A_442], %add3A_464 masked %or3A_460 : memref<608xi32, #tpu.memory_space<vmem>>[vector<16xi32>], vector<16xi32>, vector<16xi1>
        %scan3A_465 = arith.constant 0 : i32
        scf.yield %scan3A_465 : i32
      }
      %scan3A_262 = arith.constant 32 : i32
      %dma_wait3A_263 = arith.constant 0 : i32
      %dma_wait3A_264 = tpu.memref_slice %arg14[%dma_wait3A_263] : memref<512xf32, #tpu.memory_space<vmem>> -> memref<128xf32, #tpu.memory_space<vmem>>
      %dma_wait3A_265 = arith.constant 0 : i32
      %dma_wait3A_266 = tpu.memref_slice %arg12[%dma_wait3A_265] : memref<512xi32, #tpu.memory_space<vmem>> -> memref<128xi32, #tpu.memory_space<vmem>>
      %dma_wait3A_267 = arith.constant 0 : i32
      %dma_wait3A_268 = tpu.memref_slice %arg2[%dma_wait3A_267] : memref<2646016xf32, #tpu.memory_space<hbm>> -> memref<2646016xf32, #tpu.memory_space<hbm>>
      tpu.wait_indirect_dma semaphore(%arg35 : memref<!tpu.dma_semaphore, #tpu.memory_space<semaphore_mem>>) src(%dma_wait3A_268 : memref<2646016xf32, #tpu.memory_space<hbm>>) dst(%dma_wait3A_264 : memref<128xf32, #tpu.memory_space<vmem>>)
      %dma_wait3A_269 = arith.constant 0 : i32
      %dma_wait3A_270 = tpu.memref_slice %arg15[%dma_wait3A_269] : memref<512xf32, #tpu.memory_space<vmem>> -> memref<128xf32, #tpu.memory_space<vmem>>
      %dma_wait3A_271 = arith.constant 0 : i32
      %dma_wait3A_272 = tpu.memref_slice %arg13[%dma_wait3A_271] : memref<512xi32, #tpu.memory_space<vmem>> -> memref<128xi32, #tpu.memory_space<vmem>>
      %dma_wait3A_273 = arith.constant 0 : i32
      %dma_wait3A_274 = tpu.memref_slice %arg2[%dma_wait3A_273] : memref<2646016xf32, #tpu.memory_space<hbm>> -> memref<2646016xf32, #tpu.memory_space<hbm>>
      tpu.wait_indirect_dma semaphore(%arg35 : memref<!tpu.dma_semaphore, #tpu.memory_space<semaphore_mem>>) src(%dma_wait3A_274 : memref<2646016xf32, #tpu.memory_space<hbm>>) dst(%dma_wait3A_270 : memref<128xf32, #tpu.memory_space<vmem>>)
      %dma_wait3A_275 = arith.constant 128 : i32
      %dma_wait3A_276 = tpu.memref_slice %arg14[%dma_wait3A_275] : memref<512xf32, #tpu.memory_space<vmem>> -> memref<128xf32, #tpu.memory_space<vmem>>
      %dma_wait3A_277 = arith.constant 128 : i32
      %dma_wait3A_278 = tpu.memref_slice %arg12[%dma_wait3A_277] : memref<512xi32, #tpu.memory_space<vmem>> -> memref<128xi32, #tpu.memory_space<vmem>>
      %dma_wait3A_279 = arith.constant 0 : i32
      %dma_wait3A_280 = tpu.memref_slice %arg2[%dma_wait3A_279] : memref<2646016xf32, #tpu.memory_space<hbm>> -> memref<2646016xf32, #tpu.memory_space<hbm>>
      tpu.wait_indirect_dma semaphore(%arg35 : memref<!tpu.dma_semaphore, #tpu.memory_space<semaphore_mem>>) src(%dma_wait3A_280 : memref<2646016xf32, #tpu.memory_space<hbm>>) dst(%dma_wait3A_276 : memref<128xf32, #tpu.memory_space<vmem>>)
      %dma_wait3A_281 = arith.constant 128 : i32
      %dma_wait3A_282 = tpu.memref_slice %arg15[%dma_wait3A_281] : memref<512xf32, #tpu.memory_space<vmem>> -> memref<128xf32, #tpu.memory_space<vmem>>
      %dma_wait3A_283 = arith.constant 128 : i32
      %dma_wait3A_284 = tpu.memref_slice %arg13[%dma_wait3A_283] : memref<512xi32, #tpu.memory_space<vmem>> -> memref<128xi32, #tpu.memory_space<vmem>>
      %dma_wait3A_285 = arith.constant 0 : i32
      %dma_wait3A_286 = tpu.memref_slice %arg2[%dma_wait3A_285] : memref<2646016xf32, #tpu.memory_space<hbm>> -> memref<2646016xf32, #tpu.memory_space<hbm>>
      tpu.wait_indirect_dma semaphore(%arg35 : memref<!tpu.dma_semaphore, #tpu.memory_space<semaphore_mem>>) src(%dma_wait3A_286 : memref<2646016xf32, #tpu.memory_space<hbm>>) dst(%dma_wait3A_282 : memref<128xf32, #tpu.memory_space<vmem>>)
      %dma_wait3A_287 = arith.constant 256 : i32
      %dma_wait3A_288 = tpu.memref_slice %arg14[%dma_wait3A_287] : memref<512xf32, #tpu.memory_space<vmem>> -> memref<128xf32, #tpu.memory_space<vmem>>
      %dma_wait3A_289 = arith.constant 256 : i32
      %dma_wait3A_290 = tpu.memref_slice %arg12[%dma_wait3A_289] : memref<512xi32, #tpu.memory_space<vmem>> -> memref<128xi32, #tpu.memory_space<vmem>>
      %dma_wait3A_291 = arith.constant 0 : i32
      %dma_wait3A_292 = tpu.memref_slice %arg2[%dma_wait3A_291] : memref<2646016xf32, #tpu.memory_space<hbm>> -> memref<2646016xf32, #tpu.memory_space<hbm>>
      tpu.wait_indirect_dma semaphore(%arg35 : memref<!tpu.dma_semaphore, #tpu.memory_space<semaphore_mem>>) src(%dma_wait3A_292 : memref<2646016xf32, #tpu.memory_space<hbm>>) dst(%dma_wait3A_288 : memref<128xf32, #tpu.memory_space<vmem>>)
      %dma_wait3A_293 = arith.constant 256 : i32
      %dma_wait3A_294 = tpu.memref_slice %arg15[%dma_wait3A_293] : memref<512xf32, #tpu.memory_space<vmem>> -> memref<128xf32, #tpu.memory_space<vmem>>
      %dma_wait3A_295 = arith.constant 256 : i32
      %dma_wait3A_296 = tpu.memref_slice %arg13[%dma_wait3A_295] : memref<512xi32, #tpu.memory_space<vmem>> -> memref<128xi32, #tpu.memory_space<vmem>>
      %dma_wait3A_297 = arith.constant 0 : i32
      %dma_wait3A_298 = tpu.memref_slice %arg2[%dma_wait3A_297] : memref<2646016xf32, #tpu.memory_space<hbm>> -> memref<2646016xf32, #tpu.memory_space<hbm>>
      tpu.wait_indirect_dma semaphore(%arg35 : memref<!tpu.dma_semaphore, #tpu.memory_space<semaphore_mem>>) src(%dma_wait3A_298 : memref<2646016xf32, #tpu.memory_space<hbm>>) dst(%dma_wait3A_294 : memref<128xf32, #tpu.memory_space<vmem>>)
      %dma_wait3A_299 = arith.constant 384 : i32
      %dma_wait3A_300 = tpu.memref_slice %arg14[%dma_wait3A_299] : memref<512xf32, #tpu.memory_space<vmem>> -> memref<128xf32, #tpu.memory_space<vmem>>
      %dma_wait3A_301 = arith.constant 384 : i32
      %dma_wait3A_302 = tpu.memref_slice %arg12[%dma_wait3A_301] : memref<512xi32, #tpu.memory_space<vmem>> -> memref<128xi32, #tpu.memory_space<vmem>>
      %dma_wait3A_303 = arith.constant 0 : i32
      %dma_wait3A_304 = tpu.memref_slice %arg2[%dma_wait3A_303] : memref<2646016xf32, #tpu.memory_space<hbm>> -> memref<2646016xf32, #tpu.memory_space<hbm>>
      tpu.wait_indirect_dma semaphore(%arg35 : memref<!tpu.dma_semaphore, #tpu.memory_space<semaphore_mem>>) src(%dma_wait3A_304 : memref<2646016xf32, #tpu.memory_space<hbm>>) dst(%dma_wait3A_300 : memref<128xf32, #tpu.memory_space<vmem>>)
      %dma_wait3A_305 = arith.constant 384 : i32
      %dma_wait3A_306 = tpu.memref_slice %arg15[%dma_wait3A_305] : memref<512xf32, #tpu.memory_space<vmem>> -> memref<128xf32, #tpu.memory_space<vmem>>
      %dma_wait3A_307 = arith.constant 384 : i32
      %dma_wait3A_308 = tpu.memref_slice %arg13[%dma_wait3A_307] : memref<512xi32, #tpu.memory_space<vmem>> -> memref<128xi32, #tpu.memory_space<vmem>>
      %dma_wait3A_309 = arith.constant 0 : i32
      %dma_wait3A_310 = tpu.memref_slice %arg2[%dma_wait3A_309] : memref<2646016xf32, #tpu.memory_space<hbm>> -> memref<2646016xf32, #tpu.memory_space<hbm>>
      tpu.wait_indirect_dma semaphore(%arg35 : memref<!tpu.dma_semaphore, #tpu.memory_space<semaphore_mem>>) src(%dma_wait3A_310 : memref<2646016xf32, #tpu.memory_space<hbm>>) dst(%dma_wait3A_306 : memref<128xf32, #tpu.memory_space<vmem>>)
      %dma_wait3A_311 = arith.constant 0 : i32
      %dma_wait3A_312 = tpu.memref_slice %arg26[%dma_wait3A_311] : memref<512xf32, #tpu.memory_space<vmem>> -> memref<128xf32, #tpu.memory_space<vmem>>
      %dma_wait3A_313 = arith.constant 0 : i32
      %dma_wait3A_314 = tpu.memref_slice %arg24[%dma_wait3A_313] : memref<512xi32, #tpu.memory_space<vmem>> -> memref<128xi32, #tpu.memory_space<vmem>>
      %dma_wait3A_315 = arith.constant 0 : i32
      %dma_wait3A_316 = tpu.memref_slice %arg2[%dma_wait3A_315] : memref<2646016xf32, #tpu.memory_space<hbm>> -> memref<2646016xf32, #tpu.memory_space<hbm>>
      tpu.wait_indirect_dma semaphore(%arg35 : memref<!tpu.dma_semaphore, #tpu.memory_space<semaphore_mem>>) src(%dma_wait3A_316 : memref<2646016xf32, #tpu.memory_space<hbm>>) dst(%dma_wait3A_312 : memref<128xf32, #tpu.memory_space<vmem>>)
      %dma_wait3A_317 = arith.constant 0 : i32
      %dma_wait3A_318 = tpu.memref_slice %arg27[%dma_wait3A_317] : memref<512xf32, #tpu.memory_space<vmem>> -> memref<128xf32, #tpu.memory_space<vmem>>
      %dma_wait3A_319 = arith.constant 0 : i32
      %dma_wait3A_320 = tpu.memref_slice %arg25[%dma_wait3A_319] : memref<512xi32, #tpu.memory_space<vmem>> -> memref<128xi32, #tpu.memory_space<vmem>>
      %dma_wait3A_321 = arith.constant 0 : i32
      %dma_wait3A_322 = tpu.memref_slice %arg2[%dma_wait3A_321] : memref<2646016xf32, #tpu.memory_space<hbm>> -> memref<2646016xf32, #tpu.memory_space<hbm>>
      tpu.wait_indirect_dma semaphore(%arg35 : memref<!tpu.dma_semaphore, #tpu.memory_space<semaphore_mem>>) src(%dma_wait3A_322 : memref<2646016xf32, #tpu.memory_space<hbm>>) dst(%dma_wait3A_318 : memref<128xf32, #tpu.memory_space<vmem>>)
      %dma_wait3A_323 = arith.constant 128 : i32
      %dma_wait3A_324 = tpu.memref_slice %arg26[%dma_wait3A_323] : memref<512xf32, #tpu.memory_space<vmem>> -> memref<128xf32, #tpu.memory_space<vmem>>
      %dma_wait3A_325 = arith.constant 128 : i32
      %dma_wait3A_326 = tpu.memref_slice %arg24[%dma_wait3A_325] : memref<512xi32, #tpu.memory_space<vmem>> -> memref<128xi32, #tpu.memory_space<vmem>>
      %dma_wait3A_327 = arith.constant 0 : i32
      %dma_wait3A_328 = tpu.memref_slice %arg2[%dma_wait3A_327] : memref<2646016xf32, #tpu.memory_space<hbm>> -> memref<2646016xf32, #tpu.memory_space<hbm>>
      tpu.wait_indirect_dma semaphore(%arg35 : memref<!tpu.dma_semaphore, #tpu.memory_space<semaphore_mem>>) src(%dma_wait3A_328 : memref<2646016xf32, #tpu.memory_space<hbm>>) dst(%dma_wait3A_324 : memref<128xf32, #tpu.memory_space<vmem>>)
      %dma_wait3A_329 = arith.constant 128 : i32
      %dma_wait3A_330 = tpu.memref_slice %arg27[%dma_wait3A_329] : memref<512xf32, #tpu.memory_space<vmem>> -> memref<128xf32, #tpu.memory_space<vmem>>
      %dma_wait3A_331 = arith.constant 128 : i32
      %dma_wait3A_332 = tpu.memref_slice %arg25[%dma_wait3A_331] : memref<512xi32, #tpu.memory_space<vmem>> -> memref<128xi32, #tpu.memory_space<vmem>>
      %dma_wait3A_333 = arith.constant 0 : i32
      %dma_wait3A_334 = tpu.memref_slice %arg2[%dma_wait3A_333] : memref<2646016xf32, #tpu.memory_space<hbm>> -> memref<2646016xf32, #tpu.memory_space<hbm>>
      tpu.wait_indirect_dma semaphore(%arg35 : memref<!tpu.dma_semaphore, #tpu.memory_space<semaphore_mem>>) src(%dma_wait3A_334 : memref<2646016xf32, #tpu.memory_space<hbm>>) dst(%dma_wait3A_330 : memref<128xf32, #tpu.memory_space<vmem>>)
      %dma_wait3A_335 = arith.constant 256 : i32
      %dma_wait3A_336 = tpu.memref_slice %arg26[%dma_wait3A_335] : memref<512xf32, #tpu.memory_space<vmem>> -> memref<128xf32, #tpu.memory_space<vmem>>
      %dma_wait3A_337 = arith.constant 256 : i32
      %dma_wait3A_338 = tpu.memref_slice %arg24[%dma_wait3A_337] : memref<512xi32, #tpu.memory_space<vmem>> -> memref<128xi32, #tpu.memory_space<vmem>>
      %dma_wait3A_339 = arith.constant 0 : i32
      %dma_wait3A_340 = tpu.memref_slice %arg2[%dma_wait3A_339] : memref<2646016xf32, #tpu.memory_space<hbm>> -> memref<2646016xf32, #tpu.memory_space<hbm>>
      tpu.wait_indirect_dma semaphore(%arg35 : memref<!tpu.dma_semaphore, #tpu.memory_space<semaphore_mem>>) src(%dma_wait3A_340 : memref<2646016xf32, #tpu.memory_space<hbm>>) dst(%dma_wait3A_336 : memref<128xf32, #tpu.memory_space<vmem>>)
      %dma_wait3A_341 = arith.constant 256 : i32
      %dma_wait3A_342 = tpu.memref_slice %arg27[%dma_wait3A_341] : memref<512xf32, #tpu.memory_space<vmem>> -> memref<128xf32, #tpu.memory_space<vmem>>
      %dma_wait3A_343 = arith.constant 256 : i32
      %dma_wait3A_344 = tpu.memref_slice %arg25[%dma_wait3A_343] : memref<512xi32, #tpu.memory_space<vmem>> -> memref<128xi32, #tpu.memory_space<vmem>>
      %dma_wait3A_345 = arith.constant 0 : i32
      %dma_wait3A_346 = tpu.memref_slice %arg2[%dma_wait3A_345] : memref<2646016xf32, #tpu.memory_space<hbm>> -> memref<2646016xf32, #tpu.memory_space<hbm>>
      tpu.wait_indirect_dma semaphore(%arg35 : memref<!tpu.dma_semaphore, #tpu.memory_space<semaphore_mem>>) src(%dma_wait3A_346 : memref<2646016xf32, #tpu.memory_space<hbm>>) dst(%dma_wait3A_342 : memref<128xf32, #tpu.memory_space<vmem>>)
      %dma_wait3A_347 = arith.constant 384 : i32
      %dma_wait3A_348 = tpu.memref_slice %arg26[%dma_wait3A_347] : memref<512xf32, #tpu.memory_space<vmem>> -> memref<128xf32, #tpu.memory_space<vmem>>
      %dma_wait3A_349 = arith.constant 384 : i32
      %dma_wait3A_350 = tpu.memref_slice %arg24[%dma_wait3A_349] : memref<512xi32, #tpu.memory_space<vmem>> -> memref<128xi32, #tpu.memory_space<vmem>>
      %dma_wait3A_351 = arith.constant 0 : i32
      %dma_wait3A_352 = tpu.memref_slice %arg2[%dma_wait3A_351] : memref<2646016xf32, #tpu.memory_space<hbm>> -> memref<2646016xf32, #tpu.memory_space<hbm>>
      tpu.wait_indirect_dma semaphore(%arg35 : memref<!tpu.dma_semaphore, #tpu.memory_space<semaphore_mem>>) src(%dma_wait3A_352 : memref<2646016xf32, #tpu.memory_space<hbm>>) dst(%dma_wait3A_348 : memref<128xf32, #tpu.memory_space<vmem>>)
      %dma_wait3A_353 = arith.constant 384 : i32
      %dma_wait3A_354 = tpu.memref_slice %arg27[%dma_wait3A_353] : memref<512xf32, #tpu.memory_space<vmem>> -> memref<128xf32, #tpu.memory_space<vmem>>
      %dma_wait3A_355 = arith.constant 384 : i32
      %dma_wait3A_356 = tpu.memref_slice %arg25[%dma_wait3A_355] : memref<512xi32, #tpu.memory_space<vmem>> -> memref<128xi32, #tpu.memory_space<vmem>>
      %dma_wait3A_357 = arith.constant 0 : i32
      %dma_wait3A_358 = tpu.memref_slice %arg2[%dma_wait3A_357] : memref<2646016xf32, #tpu.memory_space<hbm>> -> memref<2646016xf32, #tpu.memory_space<hbm>>
      tpu.wait_indirect_dma semaphore(%arg35 : memref<!tpu.dma_semaphore, #tpu.memory_space<semaphore_mem>>) src(%dma_wait3A_358 : memref<2646016xf32, #tpu.memory_space<hbm>>) dst(%dma_wait3A_354 : memref<128xf32, #tpu.memory_space<vmem>>)
      %broadcast_in_dim3A_359 = arith.constant 0.000000e+00 : f32
      %broadcast_in_dim3A_360 = vector.broadcast %broadcast_in_dim3A_359 : f32 to vector<16xf32>
      %broadcast_in_dim3A_361 = arith.constant 0 : i32
      %broadcast_in_dim3A_362 = vector.broadcast %broadcast_in_dim3A_361 : i32 to vector<16xi32>
      %scan3A_363 = arith.constant 0 : i32
      %scan3A_364 = arith.constant 32 : i32
      %scan3A_365 = arith.addi %scan3A_363, %scan3A_364 : i32
      %scan3A_366 = arith.constant 1 : i32
      %scan3A_367:2 = scf.for %scan3A_395 = %scan3A_363 to %scan3A_365 step %scan3A_366 iter_args(%scan3A_396 = %broadcast_in_dim3A_360, %scan3A_397 = %broadcast_in_dim3A_362) -> (vector<16xf32>, vector<16xi32>)  : i32 {
        %mul3A_398 = arith.constant 16 : i32
        %mul3A_399 = arith.muli %scan3A_395, %mul3A_398 : i32
        %get3A = arith.index_cast %mul3A_399 : i32 to index
        %get3A_400 = tpu.vector_load %arg5[%get3A] {strides = array<i32>} : memref<512xi32, #tpu.memory_space<vmem>>, vector<16xi32>,
        %gather3A = tpu.vector_load_idx %arg10[%get3A_400] : memref<608xi32, #tpu.memory_space<vmem>>[vector<16xi32>], vector<16xi32>,
        %gather3A_401 = tpu.vector_load_idx %arg11[%get3A_400] : memref<608xi32, #tpu.memory_space<vmem>>[vector<16xi32>], vector<16xi32>,
        %ne3A = arith.constant 0 : i32
        %ne3A_402 = vector.broadcast %ne3A : i32 to vector<16xi32>
        %ne3A_403 = arith.cmpi ne, %get3A_400, %ne3A_402 : vector<16xi32>
        %eq3A_404 = arith.constant 1 : i32
        %eq3A_405 = vector.broadcast %eq3A_404 : i32 to vector<16xi32>
        %eq3A_406 = arith.cmpi eq, %gather3A, %eq3A_405 : vector<16xi32>
        %and3A = arith.andi %ne3A_403, %eq3A_406 : vector<16xi1>
        %ge3A = arith.constant 0 : i32
        %ge3A_407 = vector.broadcast %ge3A : i32 to vector<16xi32>
        %ge3A_408 = arith.cmpi sge, %gather3A_401, %ge3A_407 : vector<16xi32>
        %and3A_409 = arith.andi %and3A, %ge3A_408 : vector<16xi1>
        %max3A = arith.constant 0 : i32
        %max3A_410 = vector.broadcast %max3A : i32 to vector<16xi32>
        %max3A_411 = arith.maxsi %gather3A_401, %max3A_410 : vector<16xi32>
        %gather3A_412 = tpu.vector_load_idx %arg8[%max3A_411] : memref<512xi32, #tpu.memory_space<vmem>>[vector<16xi32>], vector<16xi32>,
        %convert_element_type3A_413 = arith.sitofp %gather3A_412 : vector<16xi32> to vector<16xf32>
        %add3A_414 = arith.constant 5.000000e-01 : f32
        %add3A_415 = vector.broadcast %add3A_414 : f32 to vector<16xf32>
        %add3A_416 = arith.addf %convert_element_type3A_413, %add3A_415 : vector<16xf32>
        %mul3A_417 = arith.constant 0.0036764706 : f32
        %mul3A_418 = vector.broadcast %mul3A_417 : f32 to vector<16xf32>
        %mul3A_419 = arith.mulf %add3A_416, %mul3A_418 : vector<16xf32>
        %convert_element_type3A_420 = arith.fptosi %mul3A_419 : vector<16xf32> to vector<16xi32>
        %convert_element_type3A_421 = arith.sitofp %convert_element_type3A_420 : vector<16xi32> to vector<16xf32>
        %mul3A_422 = arith.constant 272 : i32
        %mul3A_423 = vector.broadcast %mul3A_422 : i32 to vector<16xi32>
        %mul3A_424 = arith.muli %convert_element_type3A_420, %mul3A_423 : vector<16xi32>
        %sub3A = arith.subi %gather3A_412, %mul3A_424 : vector<16xi32>
        %convert_element_type3A_425 = arith.sitofp %sub3A : vector<16xi32> to vector<16xf32>
        %get3A_426 = arith.index_cast %mul3A_399 : i32 to index
        %get3A_427 = tpu.vector_load %arg9[%get3A_426] {strides = array<i32>} : memref<512xi32, #tpu.memory_space<vmem>>, vector<16xi32>,
        %convert_element_type3A_428 = arith.sitofp %get3A_427 : vector<16xi32> to vector<16xf32>
        %get3A_429 = arith.index_cast %mul3A_399 : i32 to index
        %get3A_430 = tpu.vector_load %arg14[%get3A_429] {strides = array<i32>} : memref<512xf32, #tpu.memory_space<vmem>>, vector<16xf32>,
        %mul3A_431 = arith.mulf %get3A_430, %convert_element_type3A_428 : vector<16xf32>
        %sub3A_432 = arith.subf %mul3A_431, %convert_element_type3A_425 : vector<16xf32>
        %abs3A = math.absf %sub3A_432 : vector<16xf32>
        %get3A_433 = arith.index_cast %mul3A_399 : i32 to index
        %get3A_434 = tpu.vector_load %arg15[%get3A_433] {strides = array<i32>} : memref<512xf32, #tpu.memory_space<vmem>>, vector<16xf32>,
        %mul3A_435 = arith.mulf %get3A_434, %convert_element_type3A_428 : vector<16xf32>
        %sub3A_436 = arith.subf %mul3A_435, %convert_element_type3A_421 : vector<16xf32>
        %abs3A_437 = math.absf %sub3A_436 : vector<16xf32>
        %add3A_438 = arith.addf %abs3A, %abs3A_437 : vector<16xf32>
        %jit3A_439 = arith.constant 0.000000e+00 : f32
        %broadcast_in_dim3A_440 = vector.broadcast %jit3A_439 : f32 to vector<16xf32>
        %select_n3A_441 = arith.select %and3A_409, %add3A_438, %broadcast_in_dim3A_440 : vector<16xi1>, vector<16xf32>
        %add3A_442 = arith.addf %scan3A_396, %select_n3A_441 : vector<16xf32>
        %get3A_443 = arith.index_cast %mul3A_399 : i32 to index
        %get3A_444 = tpu.vector_load %arg9[%get3A_443] {strides = array<i32>} : memref<512xi32, #tpu.memory_space<vmem>>, vector<16xi32>,
        %add3A_445 = arith.addi %scan3A_397, %get3A_444 : vector<16xi32>
        %get3A_446 = arith.index_cast %mul3A_399 : i32 to index
        %get3A_447 = tpu.vector_load %arg17[%get3A_446] {strides = array<i32>} : memref<512xi32, #tpu.memory_space<vmem>>, vector<16xi32>,
        %gather3A_448 = tpu.vector_load_idx %arg22[%get3A_447] : memref<608xi32, #tpu.memory_space<vmem>>[vector<16xi32>], vector<16xi32>,
        %gather3A_449 = tpu.vector_load_idx %arg23[%get3A_447] : memref<608xi32, #tpu.memory_space<vmem>>[vector<16xi32>], vector<16xi32>,
        %ne3A_450 = arith.constant 0 : i32
        %ne3A_451 = vector.broadcast %ne3A_450 : i32 to vector<16xi32>
        %ne3A_452 = arith.cmpi ne, %get3A_447, %ne3A_451 : vector<16xi32>
        %eq3A_453 = arith.constant 1 : i32
        %eq3A_454 = vector.broadcast %eq3A_453 : i32 to vector<16xi32>
        %eq3A_455 = arith.cmpi eq, %gather3A_448, %eq3A_454 : vector<16xi32>
        %and3A_456 = arith.andi %ne3A_452, %eq3A_455 : vector<16xi1>
        %ge3A_457 = arith.constant 0 : i32
        %ge3A_458 = vector.broadcast %ge3A_457 : i32 to vector<16xi32>
        %ge3A_459 = arith.cmpi sge, %gather3A_449, %ge3A_458 : vector<16xi32>
        %and3A_460 = arith.andi %and3A_456, %ge3A_459 : vector<16xi1>
        %max3A_461 = arith.constant 0 : i32
        %max3A_462 = vector.broadcast %max3A_461 : i32 to vector<16xi32>
        %max3A_463 = arith.maxsi %gather3A_449, %max3A_462 : vector<16xi32>
        %gather3A_464 = tpu.vector_load_idx %arg20[%max3A_463] : memref<512xi32, #tpu.memory_space<vmem>>[vector<16xi32>], vector<16xi32>,
        %convert_element_type3A_465 = arith.sitofp %gather3A_464 : vector<16xi32> to vector<16xf32>
        %add3A_466 = arith.constant 5.000000e-01 : f32
        %add3A_467 = vector.broadcast %add3A_466 : f32 to vector<16xf32>
        %add3A_468 = arith.addf %convert_element_type3A_465, %add3A_467 : vector<16xf32>
        %mul3A_469 = arith.constant 0.0036764706 : f32
        %mul3A_470 = vector.broadcast %mul3A_469 : f32 to vector<16xf32>
        %mul3A_471 = arith.mulf %add3A_468, %mul3A_470 : vector<16xf32>
        %convert_element_type3A_472 = arith.fptosi %mul3A_471 : vector<16xf32> to vector<16xi32>
        %convert_element_type3A_473 = arith.sitofp %convert_element_type3A_472 : vector<16xi32> to vector<16xf32>
        %mul3A_474 = arith.constant 272 : i32
        %mul3A_475 = vector.broadcast %mul3A_474 : i32 to vector<16xi32>
        %mul3A_476 = arith.muli %convert_element_type3A_472, %mul3A_475 : vector<16xi32>
        %sub3A_477 = arith.subi %gather3A_464, %mul3A_476 : vector<16xi32>
        %convert_element_type3A_478 = arith.sitofp %sub3A_477 : vector<16xi32> to vector<16xf32>
        %get3A_479 = arith.index_cast %mul3A_399 : i32 to index
        %get3A_480 = tpu.vector_load %arg21[%get3A_479] {strides = array<i32>} : memref<512xi32, #tpu.memory_space<vmem>>, vector<16xi32>,
        %convert_element_type3A_481 = arith.sitofp %get3A_480 : vector<16xi32> to vector<16xf32>
        %get3A_482 = arith.index_cast %mul3A_399 : i32 to index
        %get3A_483 = tpu.vector_load %arg26[%get3A_482] {strides = array<i32>} : memref<512xf32, #tpu.memory_space<vmem>>, vector<16xf32>,
        %mul3A_484 = arith.mulf %get3A_483, %convert_element_type3A_481 : vector<16xf32>
        %sub3A_485 = arith.subf %mul3A_484, %convert_element_type3A_478 : vector<16xf32>
        %abs3A_486 = math.absf %sub3A_485 : vector<16xf32>
        %get3A_487 = arith.index_cast %mul3A_399 : i32 to index
        %get3A_488 = tpu.vector_load %arg27[%get3A_487] {strides = array<i32>} : memref<512xf32, #tpu.memory_space<vmem>>, vector<16xf32>,
        %mul3A_489 = arith.mulf %get3A_488, %convert_element_type3A_481 : vector<16xf32>
        %sub3A_490 = arith.subf %mul3A_489, %convert_element_type3A_473 : vector<16xf32>
        %abs3A_491 = math.absf %sub3A_490 : vector<16xf32>
        %add3A_492 = arith.addf %abs3A_486, %abs3A_491 : vector<16xf32>
        %jit3A_493 = arith.constant 0.000000e+00 : f32
        %broadcast_in_dim3A_494 = vector.broadcast %jit3A_493 : f32 to vector<16xf32>
        %select_n3A_495 = arith.select %and3A_460, %add3A_492, %broadcast_in_dim3A_494 : vector<16xi1>, vector<16xf32>
        %add3A_496 = arith.addf %add3A_442, %select_n3A_495 : vector<16xf32>
        %get3A_497 = arith.index_cast %mul3A_399 : i32 to index
        %get3A_498 = tpu.vector_load %arg21[%get3A_497] {strides = array<i32>} : memref<512xi32, #tpu.memory_space<vmem>>, vector<16xi32>,
        %add3A_499 = arith.addi %add3A_445, %get3A_498 : vector<16xi32>
        scf.yield %add3A_496, %add3A_499 : vector<16xf32>, vector<16xi32>
      }
      %scan3A_368 = arith.constant 32 : i32
      %reduce_sum3A = arith.constant true
      %reduce_sum3A_369 = vector.broadcast %reduce_sum3A : i1 to vector<16xi1>
      %reduce_sum3A_370 = tpu.scan <sum>, %scan3A_367#0 masked %reduce_sum3A_369 : vector<16xf32>, vector<16xi1> -> vector<16xf32>
      %reduce_sum3A_371 = vector.extract %reduce_sum3A_370[15] : f32 from vector<16xf32>
      %reduce_sum3A_372 = arith.constant true
      %reduce_sum3A_373 = vector.broadcast %reduce_sum3A_372 : i1 to vector<16xi1>
      %reduce_sum3A_374 = tpu.scan <sum>, %scan3A_367#1 masked %reduce_sum3A_373 : vector<16xi32>, vector<16xi1> -> vector<16xi32>
      %reduce_sum3A_375 = vector.extract %reduce_sum3A_374[15] : i32 from vector<16xi32>
      %convert_element_type3A_376 = arith.sitofp %reduce_sum3A_375 : i32 to f32
      %eq3A_377 = arith.constant 0 : i32
      %eq3A_378 = vector.broadcast %eq3A_377 : i32 to vector<16xi32>
      %eq3A_379 = arith.cmpi eq, %iota3A, %eq3A_378 : vector<16xi32>
      %eq3A_380 = arith.constant 1 : i32
      %eq3A_381 = vector.broadcast %eq3A_380 : i32 to vector<16xi32>
      %eq3A_382 = arith.cmpi eq, %iota3A, %eq3A_381 : vector<16xi32>
      %jit3A = arith.constant 0.000000e+00 : f32
      %broadcast_in_dim3A_383 = vector.broadcast %convert_element_type3A_376 : f32 to vector<16xf32>
      %broadcast_in_dim3A_384 = vector.broadcast %jit3A : f32 to vector<16xf32>
      %select_n3A = arith.select %eq3A_382, %broadcast_in_dim3A_383, %broadcast_in_dim3A_384 : vector<16xi1>, vector<16xf32>
      %broadcast_in_dim3A_385 = vector.broadcast %reduce_sum3A_371 : f32 to vector<16xf32>
      %select_n3A_386 = arith.select %eq3A_379, %broadcast_in_dim3A_385, %select_n3A : vector<16xi1>, vector<16xf32>
      %swap3A = arith.constant 0 : index
      %swap3A_387 = tpu.vector_load %arg29[%swap3A] {strides = array<i32>} : memref<16xf32, #tpu.memory_space<vmem>>, vector<16xf32>,
      tpu.vector_store %arg29[%swap3A], %select_n3A_386 {strides = array<i32>} : memref<16xf32, #tpu.memory_space<vmem>>, vector<16xf32>,
      %mul3A_388 = arith.constant 16 : i32
      %mul3A_389 = arith.muli %arg1, %mul3A_388 : i32
      "tpu.region"() ({
        %run_scoped3A = tpu.sem_alloc : memref<!tpu.dma_semaphore, #tpu.memory_space<semaphore_mem>>
        %dma_start3A_395 = tpu.memref_slice %arg32[%mul3A_389] : memref<256xf32, #tpu.memory_space<vmem_shared>> -> memref<16xf32, #tpu.memory_space<vmem_shared>>
        %dma_start3A_396 = tpu.memref_slice %arg32[%mul3A_389] : memref<256xf32, #tpu.memory_space<vmem_shared>> -> memref<16xf32, #tpu.memory_space<vmem_shared>>
        tpu.enqueue_dma source(%arg29 : memref<16xf32, #tpu.memory_space<vmem>>) target(%dma_start3A_396 : memref<16xf32, #tpu.memory_space<vmem_shared>>) target_semaphore(%run_scoped3A : memref<!tpu.dma_semaphore, #tpu.memory_space<semaphore_mem>>)
        %dma_wait3A_397 = tpu.memref_slice %arg32[%mul3A_389] : memref<256xf32, #tpu.memory_space<vmem_shared>> -> memref<16xf32, #tpu.memory_space<vmem_shared>>
        %dma_wait3A_398 = tpu.memref_slice %arg32[%mul3A_389] : memref<256xf32, #tpu.memory_space<vmem_shared>> -> memref<16xf32, #tpu.memory_space<vmem_shared>>
        tpu.wait_dma2 semaphore(%run_scoped3A : memref<!tpu.dma_semaphore, #tpu.memory_space<semaphore_mem>>) src(%arg29 : memref<16xf32, #tpu.memory_space<vmem>>) dst(%dma_wait3A_398 : memref<16xf32, #tpu.memory_space<vmem_shared>>)
        tpu.yield
      }) : () -> ()
      %barrier3A = arith.constant 0 : index
      tpu.barrier barrier_id(%barrier3A)
      %eq3A_390 = arith.constant 0 : i32
      %eq3A_391 = arith.cmpi eq, %arg1, %eq3A_390 : i32
      %convert_element_type3A_392 = arith.extui %eq3A_391 : i1 to i32
      %cond3A_393 = arith.constant 0 : i32
      %cond3A_394 = arith.cmpi ne, %convert_element_type3A_392, %cond3A_393 : i32
      scf.if %cond3A_394 {
        "tpu.region"() ({
          %run_scoped3A = tpu.sem_alloc : memref<!tpu.dma_semaphore, #tpu.memory_space<semaphore_mem>>
          tpu.enqueue_dma source(%arg32 : memref<256xf32, #tpu.memory_space<vmem_shared>>) target(%arg30 : memref<256xf32, #tpu.memory_space<vmem>>) target_semaphore(%run_scoped3A : memref<!tpu.dma_semaphore, #tpu.memory_space<semaphore_mem>>)
          tpu.wait_dma2 semaphore(%run_scoped3A : memref<!tpu.dma_semaphore, #tpu.memory_space<semaphore_mem>>) src(%arg32 : memref<256xf32, #tpu.memory_space<vmem_shared>>) dst(%arg30 : memref<256xf32, #tpu.memory_space<vmem>>)
          tpu.yield
        }) : () -> ()
        %broadcast_in_dim3A_395 = arith.constant 0.000000e+00 : f32
        %broadcast_in_dim3A_396 = vector.broadcast %broadcast_in_dim3A_395 : f32 to vector<16xf32>
        %scan3A_397 = arith.constant 0 : i32
        %scan3A_398 = arith.constant 16 : i32
        %scan3A_399 = arith.addi %scan3A_397, %scan3A_398 : i32
        %scan3A_400 = arith.constant 1 : i32
        %scan3A_401 = scf.for %scan3A_418 = %scan3A_397 to %scan3A_399 step %scan3A_400 iter_args(%scan3A_419 = %broadcast_in_dim3A_396) -> (vector<16xf32>)  : i32 {
          %mul3A_420 = arith.constant 16 : i32
          %mul3A_421 = arith.muli %scan3A_418, %mul3A_420 : i32
          %get3A = arith.index_cast %mul3A_421 : i32 to index
          %get3A_422 = tpu.vector_load %arg30[%get3A] {strides = array<i32>} : memref<256xf32, #tpu.memory_space<vmem>>, vector<16xf32>,
          %add3A_423 = arith.addf %scan3A_419, %get3A_422 : vector<16xf32>
          scf.yield %add3A_423 : vector<16xf32>
        }
        %scan3A_402 = arith.constant 16 : i32
        %swap3A_403 = arith.constant 0 : index
        %swap3A_404 = tpu.vector_load %arg29[%swap3A_403] {strides = array<i32>} : memref<16xf32, #tpu.memory_space<vmem>>, vector<16xf32>,
        tpu.vector_store %arg29[%swap3A_403], %scan3A_401 {strides = array<i32>} : memref<16xf32, #tpu.memory_space<vmem>>, vector<16xf32>,
        %broadcast_in_dim3A_405 = arith.constant 0 : i32
        %broadcast_in_dim3A_406 = vector.broadcast %broadcast_in_dim3A_405 : i32 to vector<16xi32>
        %gather3A = tpu.vector_load_idx %arg29[%broadcast_in_dim3A_406] : memref<16xf32, #tpu.memory_space<vmem>>[vector<16xi32>], vector<16xf32>,
        %broadcast_in_dim3A_407 = arith.constant 1 : i32
        %broadcast_in_dim3A_408 = vector.broadcast %broadcast_in_dim3A_407 : i32 to vector<16xi32>
        %gather3A_409 = tpu.vector_load_idx %arg29[%broadcast_in_dim3A_408] : memref<16xf32, #tpu.memory_space<vmem>>[vector<16xi32>], vector<16xf32>,
        %mul3A_410 = arith.constant 2.000000e+00 : f32
        %mul3A_411 = vector.broadcast %mul3A_410 : f32 to vector<16xf32>
        %mul3A_412 = arith.mulf %mul3A_411, %gather3A_409 : vector<16xf32>
        %add3A_413 = arith.constant 9.99999974E-5 : f32
        %add3A_414 = vector.broadcast %add3A_413 : f32 to vector<16xf32>
        %add3A_415 = arith.addf %mul3A_412, %add3A_414 : vector<16xf32>
        %div3A = arith.divf %gather3A, %add3A_415 : vector<16xf32>
        %swap3A_416 = arith.constant 0 : index
        %swap3A_417 = tpu.vector_load %arg31[%swap3A_416] {strides = array<i32>} : memref<16xf32, #tpu.memory_space<vmem>>, vector<16xf32>,
        tpu.vector_store %arg31[%swap3A_416], %div3A {strides = array<i32>} : memref<16xf32, #tpu.memory_space<vmem>>, vector<16xf32>,
        "tpu.region"() ({
          %run_scoped3A = tpu.sem_alloc : memref<!tpu.dma_semaphore, #tpu.memory_space<semaphore_mem>>
          tpu.enqueue_dma source(%arg31 : memref<16xf32, #tpu.memory_space<vmem>>) target(%arg4 : memref<16xf32, #tpu.memory_space<hbm>>) target_semaphore(%run_scoped3A : memref<!tpu.dma_semaphore, #tpu.memory_space<semaphore_mem>>)
          tpu.wait_dma2 semaphore(%run_scoped3A : memref<!tpu.dma_semaphore, #tpu.memory_space<semaphore_mem>>) src(%arg31 : memref<16xf32, #tpu.memory_space<vmem>>) dst(%arg4 : memref<16xf32, #tpu.memory_space<hbm>>)
          tpu.yield
        }) : () -> ()
      } else {
      }
    } else {
    }
    return
  }
}

</mosaic_0001>

<sc_bundles>
// kernel: kernel.3.cloned.1.call-start
scs
__scs_entry_jumppad:
0x0: {  	(pc) =	sbr.rel $0x88, $3  }
0x1: {  	(tag) =	ssettag $0x0;
	lr =	simm.s32 $0x1  }
0x2: {  	[smem:$0x3F9B] =	sst lr;
	_ =	strace $0xD0000000  }
0x3: {  	_ = 	snop  }
0x4: {  	_ = 	snop  }
0x5: {  	_ = 	snop  }
0x6: {  	_ = 	snop  }
0x7: {  	_ = 	snop  }
__scs_overlays_trampoline_lowered:
0x8: {  	[smem:$0x3FAA] =	sst s0  }
0x9: {  	[smem:$0x3FAB] =	sst s1  }
0xa: {  	[smem:$0x3FAC] =	sst s2  }
0xb: {  	[smem:$0x3FAD] =	sst s3  }
0xc: {  	[smem:$0x3FAE] =	sst s4  }
0xd: {  	[smem:$0x3FAF] =	sst s5  }
0xe: {  	[smem:$0x3FB0] =	sst s6  }
0xf: {  	[smem:$0x3FB1] =	sst s7  }
0x10: {  	[smem:$0x3FB2] =	sst s8  }
0x11: {  	[smem:$0x3FB3] =	sst s9;
	s0 =	simm.s32 @!p0 $0x0  }
0x12: {  	s1 =	sld [smem:$0x3F99];
	s0 =	simm.s32 @p0 $0x1  }
0x13: {  	[smem:$0x3FB4] =	sst s0;
	s0 =	simm.s32 @!p1 $0x0  }
0x14: {  	s2 =	sld [smem:$0x3F98];
	s0 =	simm.s32 @p1 $0x1  }
0x15: {  	[smem:$0x3FB5] =	sst s0;
	s0 =	simm.s32 @!p2 $0x0  }
0x16: {  	s3 =	sld [smem:$0x3FDB];
	s0 =	simm.s32 @p2 $0x1  }
0x17: {  	s4 =	simm.s32 $0x1BF5;
	[smem:$0x3FB7] =	sst s0  }
0x18: {  	s0 =	sld [smem:$0x3F9A];
	_ =	swait.ge [sflag:s4], $0x0  }
0x19: {  	s7 =	sld [smem:$0x3F9B]  }
0x1a: {  	s8 =	sadd.s32 $0xFFFFE003, lr  }
0x1b: {  	s9 =	sadd.s32 $0xFFFFFEF7, lr;
	s5 =	simm.s32 $0xFFFFFFFF;
	p2 =	slt.u32 s8, $0xFFFFF086  }
0x1c: {  	p1 =	slt.u32 s9, $0xF7A;
	s5 =	simm.s32 @!p2 $0x0  }
0x1d: {  	s5 =	simm.s32 @p1 $0x1;
	p0 =	seq.s32 s7, s2  }
0x1e: {  	s7 =	smul.u32 @!p0 $0xF7A, s2;
	p2 =	seq.s32 @!p0 s5, $0x0  }
0x1f: {  	s9 =	smul.u32 $0xF7A, s1;
	s8 =	simm.s32 @!p0 $0x1BF5;
	p2 =	por !p2, p0  }
0x20: {  	[sflag:s8] =	ssyncset.s32 @!p0 $0xFFFFF086;
	s6 =	sadd.s32 @!p0 s3, s7;
	s7 =	simm.s32 @!p0 $0x108  }
0x21: {  	s3 =	sadd.s32 s3, s9;
	s6 =	sadd.s32 @!p0 $0x88, s6;
	s7 =	simm.s32 @p2 $0x1082  }
0x22: {  	[simem:s7], [sflag:s8] =	dma.local @!p0 [hbm:s6], $0xF7A  }
0x23: {  	s9 =	sor.u32 $0xD0000000, s2;
	s6 =	simm.s32 $0x108;
	_ =	swait.ge @!p0 [sflag:s8], $0x0  }
0x24: {  	s3 =	sadd.s32 $0x88, s3;
	s6 =	simm.s32 @!p1 $0x1082;
	[sflag:s4] =	ssyncset.s32 $0xFFFFF086  }
0x25: {  	[simem:s6], [sflag:s4] =	dma.local [hbm:s3], $0xF7A  }
0x26: {  	[smem:$0x3F9B] =	sst s1;
	(tag) =	ssettag s2;
	_ =	strace s9  }
0x27: {  	s1 =	sld [smem:$0x3FAB]  }
0x28: {  	s2 =	sld [smem:$0x3FAC]  }
0x29: {  	s4 =	sld [smem:$0x3FAE]  }
0x2a: {  	p0 =	seq.s32 s5, $0x0;
	s5 =	sld [smem:$0x3FAF]  }
0x2b: {  	s6 =	sld [smem:$0x3FB0]  }
0x2c: {  	s7 =	sld [smem:$0x3FB1]  }
0x2d: {  	s3 =	simm.s32 $0x108;
	s8 =	sld [smem:$0x3FB2]  }
0x2e: {  	s3 =	simm.s32 @!p0 $0x1082;
	s9 =	sld [smem:$0x3FB3]  }
0x2f: {  	lr =	sadd.s32 s0, s3;
	s0 =	sld [smem:$0x3FAA]  }
0x30: {  	s3 =	sld [smem:$0x3FAD]  }
0x31: {  	[smem:$0x3FB6] =	sst s10  }
0x32: {  	s10 =	sld [smem:$0x3FB4];
	_ =	sdelay $0x3  }
0x33: {  	p0 =	seq.s32 s10, $0x1;
	s10 =	sld [smem:$0x3FB6];
	_ =	sdelay $0x3  }
0x34: {  	[smem:$0x3FB6] =	sst s10  }
0x35: {  	s10 =	sld [smem:$0x3FB5];
	_ =	sdelay $0x3  }
0x36: {  	p1 =	seq.s32 s10, $0x1;
	s10 =	sld [smem:$0x3FB6];
	_ =	sdelay $0x3  }
0x37: {  	[smem:$0x3FB6] =	sst s10  }
0x38: {  	s10 =	sld [smem:$0x3FB7]  }
0x39: {  	_ = 	snop;
	(pc) =	sbr.ind lr, $3  }
0x3a: {  	_ = 	snop  }
0x3b: {  	_ = 	snop  }
0x3c: {  	p2 =	seq.s32 s10, $0x1;
	s10 =	sld [smem:$0x3FB6]  }
0x3d: {  	_ =	shalt  }
0x3e: {  	_ =	shalt  }
0x3f: {  	_ =	shalt  }
0x40: {  	_ =	shalt  }
0x41: {  	_ =	shalt  }
0x42: {  	_ =	shalt  }
0x43: {  	_ =	shalt  }
0x44: {  	_ =	shalt  }
0x45: {  	_ =	shalt  }
0x46: {  	_ =	shalt  }
0x47: {  	_ =	shalt  }
0x48: {  	_ =	shalt  }
0x49: {  	_ =	shalt  }
0x4a: {  	_ =	shalt  }
0x4b: {  	_ =	shalt  }
0x4c: {  	_ =	shalt  }
0x4d: {  	_ =	shalt  }
0x4e: {  	_ =	shalt  }
0x4f: {  	_ =	shalt  }
0x50: {  	_ =	shalt  }
0x51: {  	_ =	shalt  }
0x52: {  	_ =	shalt  }
0x53: {  	_ =	shalt  }
0x54: {  	_ =	shalt  }
0x55: {  	_ =	shalt  }
0x56: {  	_ =	shalt  }
0x57: {  	_ =	shalt  }
0x58: {  	_ =	shalt  }
0x59: {  	_ =	shalt  }
0x5a: {  	_ =	shalt  }
0x5b: {  	_ =	shalt  }
0x5c: {  	_ =	shalt  }
0x5d: {  	_ =	shalt  }
0x5e: {  	_ =	shalt  }
0x5f: {  	_ =	shalt  }
0x60: {  	_ =	shalt  }
0x61: {  	_ =	shalt  }
0x62: {  	_ =	shalt  }
0x63: {  	_ =	shalt  }
0x64: {  	_ =	shalt  }
0x65: {  	_ =	shalt  }
0x66: {  	_ =	shalt  }
0x67: {  	_ =	shalt  }
0x68: {  	_ =	shalt  }
0x69: {  	_ =	shalt  }
0x6a: {  	_ =	shalt  }
0x6b: {  	_ =	shalt  }
0x6c: {  	_ =	shalt  }
0x6d: {  	_ =	shalt  }
0x6e: {  	_ =	shalt  }
0x6f: {  	_ =	shalt  }
0x70: {  	_ =	shalt  }
0x71: {  	_ =	shalt  }
0x72: {  	_ =	shalt  }
0x73: {  	_ =	shalt  }
0x74: {  	_ =	shalt  }
0x75: {  	_ =	shalt  }
0x76: {  	_ =	shalt  }
0x77: {  	_ =	shalt  }
0x78: {  	_ =	shalt  }
0x79: {  	_ =	shalt  }
0x7a: {  	_ =	shalt  }
0x7b: {  	_ =	shalt  }
0x7c: {  	_ =	shalt  }
0x7d: {  	_ =	shalt  }
0x7e: {  	_ =	shalt  }
0x7f: {  	_ =	shalt  }
0x80: {  	_ =	shalt  }
0x81: {  	_ =	shalt  }
0x82: {  	_ =	shalt  }
0x83: {  	_ =	shalt  }
0x84: {  	_ =	shalt  }
0x85: {  	_ =	shalt  }
0x86: {  	_ =	shalt  }
0x87: {  	_ =	shalt  }
.Lfunc_end0:
.L_simem_size_0:
called_computation_lowered:
.L_overlay_start_0:
0x88: {  	s2 =	sld [smem:$0x3FD9]  }
0x89: {  	s3 =	sld [smem:$0x3FFE];
	_ =	sdelay $0x1  }
0x8a: {  	s1 =	srdreg.scid  }
0x8b: {  	s0 =	sand.u32 $0x1, s1  }
0x8c: {  	s17 =	sshll.u32 s0, $0xA;
	s2 =	sadd.s32 s3, s2  }
0x8d: {  	s2 =	sadd.s32 s2, s17  }
0x8e: {  	[smem:$0x3FC2] =	sst s2  }
0x8f: {  	_ = 	snop  }
0x90: {  	s2 =	sld [smem:$0x3FD0];
	(tm) =	ssettm $0x1  }
0x91: {  	s18 =	sld [smem:$0x3FFB];
	_ =	sdelay $0x3  }
0x92: {  	_ =	strace s18  }
0x93: {  	s3 =	sld [smem:$0x3FFC];
	_ =	sdelay $0x3  }
0x94: {  	_ =	strace s3  }
0x95: {  	s3 =	sld [smem:$0x3FFD];
	_ =	sdelay $0x3  }
0x96: {  	_ =	strace s3  }
0x97: {  	_ =	strace $0x8FFFFFFF  }
0x98: {  	s19 =	sld [smem:$0x3FDB];
	_ =	sdelay $0x1  }
0x99: {  	s4 =	simm.s32 $_scs_section_size  }
0x9a: {  	s5 =	simm.s32 $_size__tile_overlayer_lowered;
	s6 =	simm.s32 $_tile_overlayer_lowered  }
0x9b: {  	s22 =	simm.s32 $0x1BFF;
	s21 =	sshll.u32 s6, $0x1;
	s3 =	sadd.s32 s4, s19  }
0x9c: {  	s7 =	simm.s32 $0x0;
	s20 =	sshll.u32 s5, $0x1;
	s5 =	sadd.s32 s21, s3  }
0x9d: {  	[timem:s7], [sflag:s22] =	dma.local [hbm:s5], s20  }
0x9e: {  	_ =	swait.ge [sflag:s22], s20  }
0x9f: {  	s4 =	ssub.s32 $0x0, s20;
	[sflag:s22] =	ssyncset.done $0x0  }
0xa0: {  	[sflag:s22] =	ssyncadd.s32 s4;
	_ =	sdelay $0x1  }
0xa1: {  	s23 =	simm.s32 $0x1B8B  }
0xa2: {  	_ =	swait.ge [sflag:s23], $0x1  }
0xa3: {  	[sflag:s23] =	ssyncset.done $0x0  }
0xa4: {  	s25 =	simm.s32 $0x1B8E;
	s24 =	sld [smem:$0x3FFE];
	[sflag:s23] =	ssyncadd.s32 $0xFFFFFFFF  }
0xa5: {  	s26 =	simm.s32 $execute0_lowered;
	[smem:$0x3FD2] =	sst s25  }
0xa6: {  	s5 =	sshll.u32 s26, $0x1;
	_ =	strace $0x80000046;
	[dreg:$0x1] =	wrdreg $0xFFFFFFFF  }
0xa7: {  	s28 =	simm.s32 $_size_execute0_lowered;
	s3 =	sadd.s32 s3, s5;
	[dreg:$0x0] =	wrdreg $0x0  }
0xa8: {  	s5 =	sshll.u32 s28, $0x1;
	[dreg:$0x2] =	wrdreg s3  }
0xa9: {  	[dreg:$0x3] =	wrdreg s5  }
0xaa: {  	[dreg:$0x4] =	wrdreg $0xC0  }
0xab: {  	_ =	task [dreg:s7], $0x5FFFF  }
0xac: {  	[dreg:$0x1] =	wrdreg $0xFFFFFFFF  }
0xad: {  	[dreg:$0x0] =	wrdreg $0x60  }
0xae: {  	[dreg:$0x2] =	wrdreg s24  }
0xaf: {  	[dreg:$0x3] =	wrdreg s2  }
0xb0: {  	[dreg:$0x4] =	wrdreg $0x31000  }
0xb1: {  	[dreg:$0x5] =	wrdreg $0x9  }
0xb2: {  	_ =	task.clear_ibuf [dreg:s7], $0x6FFFF;
	_ =	strace $0x90000046  }
0xb3: {  	s29 =	simm.s32 $0x9;
	_ =	strace $0x80000048  }
0xb4: {  	_ =	swait.ge [sflag:s29], $0x1  }
0xb5: {  	[sflag:s29] =	ssyncadd.s32 $0xFFFFFFFF  }
0xb6: {  	_ =	strace $0x90000048  }
0xb7: {  	_ =	sfence  }
0xb8: {  	s30 =	sld [smem:$0x0];
	_ =	sdelay $0x2  }
0xb9: {  	s31 =	sshll.u32 s1, $0xD;
	s1 =	sshrl.u32 s1, $0x2  }
0xba: {  	s3 =	sand.u32 $0x4000, s31;
	s1 =	sadd.s32 s1, s30  }
0xbb: {  	s0 =	sor.u32 s3, s0;
	s1 =	sshll.u32 s1, $0x11  }
0xbc: {  	s0 =	sor.u32 s1, s0  }
0xbd: {  	s0 =	sadd.s32 $0x8F2B, s0  }
0xbe: {  	[sflag:s0] =	ssyncadd.remote.s32 $0x1  }
0xbf: {  	_ =	sfence.sel $0xFFFF  }
0xc0: {  	[dreg:$0x0] =	wrdreg $0xFFFFFFFF;
	(pc) =	sbr.abs _section_cstart, $3  }
0xc1: {  	[dreg:$0x1] =	wrdreg $0xFFFFFFFF  }
0xc2: {  	_ =	task.clear_ibuf [dreg:s7], $0x2FFFF;
	_ =	strace $0x9FFFFFFF  }
0xc3: {  	(tm) =	ssettm $0x7FFFFFFF  }
tec
execute0_lowered:
.L_overlay_start_1:
0x0: {  	(tag) =	ssettag $0x1  }
0x1: {  	s2 =	srdreg.scid  }
0x2: {  	s2 =	sand.u32 $0x1, s2  }
0x3: {  	p0 =	seq.s32 s2, $0x1  }
.Ltmp0:
0x4: {  	s4 =	rddreg [dreg:$0x0];
	(pc) =	sbr.rel @p0 .LBB2_10-.Ltmp0, $4  }
0x5: {  	s1 =	rddreg [dreg:$0x1]  }
0x6: {  	s3 =	rddreg [dreg:$0x2];
	s6 =	simm.s32 $0x0  }
0x7: {  	[smem:$0x7FF] =	sst s6  }
0x8: {  	s0 =	rddreg [dreg:$0x3];
	_ =	strace $0x80000047;
	s2 =	stileid.u32  }
0x9: {  	s7 =	sadd.s32 $0x51800, s4;
	s8 =	sshll.u32 s2, $0xA  }
0xa: {  	s5 =	sshllo.u32 s2, $0x1;
	s9 =	sshll.u32 s2, $0x8;
	s16 =	simm.s32 $0x80  }
0xb: {  	s17 =	simm.s32 $0x400;
	s8 =	sand.u32 $0x3000, s8;
	s10 =	sshll.u32 s5, $0x7  }
0xc: {  	s9 =	sand.u32 $0x300, s9;
	s11 =	sor.u32 $0x8000, s8;
	s10 =	sand.u32 $0x380, s10  }
0xd: {  	s12 =	sor.u32 $0x10000, s8;
	s14 =	sor.u32 $0xC000, s8;
	s15 =	sor.u32 $0x4000, s8  }
0xe: {  	s13 =	sor.u32 s9, s11;
	s24 =	sor.u32 s12, s10;
	s18 =	sor.u32 s14, s10  }
0xf: {  	s19 =	sor.u32 s15, s10;
	s11 =	sor.u32 s11, s10;
	s10 =	sor.u32 s8, s10  }
0x10: {  	s8 =	sor.u32 s9, s8;
	s12 =	sor.u32 s9, s12;
	s13 =	sshrl.u32 s13, $0x3  }
0x11: {  	s15 =	sor.u32 s9, s15;
	s8 =	sshrl.u32 s8, $0x3;
	s13 =	sadd.s32 s7, s13  }
0x12: {  	[tilespmem:s17], [sflag:$0x2] =	stream.strided.gather [hbm4b:s13+s16], $0x200, s17, s16, $0x38;
	[tilespmem:$0x3110] =	vst v63  }
0x13: {  	s9 =	sor.u32 s9, s14;
	s25 =	sshrl.u32 s15, $0x3;
	s8 =	sadd.s32 s7, s8  }
0x14: {  	[tilespmem:s6], [sflag:$0x1] =	stream.strided.gather [hbm4b:s8+s16], $0x200, s17, s16, $0x38;
	[tilespmem:$0x3110] =	vst v63  }
0x15: {  	s29 =	simm.s32 $0x200;
	s26 =	sshrl.u32 s9, $0x3;
	s28 =	sadd.s32 s7, s25  }
0x16: {  	[tilespmem:s29], [sflag:$0x1] =	stream.strided.gather [hbm4b:s28+s16], $0x200, s17, s16, $0x38;
	[tilespmem:$0x3110] =	vst v63  }
0x17: {  	s31 =	simm.s32 $0x600;
	s30 =	sshrl.u32 s12, $0x3;
	s6 =	sadd.s32 s7, s26  }
0x18: {  	[tilespmem:s31], [sflag:$0x1] =	stream.strided.gather [hbm4b:s6+s16], $0x200, s17, s16, $0x38;
	[tilespmem:$0x3110] =	vst v63  }
0x19: {  	s11 =	sshrl.u32 s11, $0x3;
	s12 =	simm.s32 $0x800;
	s8 =	sadd.s32 s7, s30  }
0x1a: {  	[tilespmem:s12], [sflag:$0x1] =	stream.strided.gather [hbm4b:s8+s16], $0x200, s17, s16, $0x38;
	[tilespmem:$0x3110] =	vst v63  }
0x1b: {  	s14 =	sshrl.u32 s10, $0x3;
	s15 =	simm.s32 $0x1B80;
	s6 =	sadd.s32 s7, s11  }
0x1c: {  	[tilespmem:s15], [sflag:$0x2] =	stream.strided.gather [hbm4b:s6+s16], $0x200, s17, s16, $0x38;
	[tilespmem:$0x3110] =	vst v63  }
0x1d: {  	s20 =	simm.s32 $0x1780;
	s19 =	sshrl.u32 s19, $0x3;
	s8 =	sadd.s32 s7, s14  }
0x1e: {  	[tilespmem:s20], [sflag:$0x1] =	stream.strided.gather [hbm4b:s8+s16], $0x200, s17, s16, $0x38;
	[tilespmem:$0x3110] =	vst v63  }
0x1f: {  	s22 =	simm.s32 $0x1980;
	s21 =	sshrl.u32 s18, $0x3;
	s6 =	sadd.s32 s7, s19  }
0x20: {  	[tilespmem:s22], [sflag:$0x1] =	stream.strided.gather [hbm4b:s6+s16], $0x200, s17, s16, $0x38;
	[tilespmem:$0x3110] =	vst v63  }
0x21: {  	s23 =	sshrl.u32 s24, $0x3;
	s24 =	simm.s32 $0x1D80;
	s8 =	sadd.s32 s7, s21  }
0x22: {  	[tilespmem:s24], [sflag:$0x1] =	stream.strided.gather [hbm4b:s8+s16], $0x200, s17, s16, $0x38;
	[tilespmem:$0x3110] =	vst v63  }
0x23: {  	s25 =	simm.s32 $0x1F80;
	s26 =	simm.s32 $0x2;
	s6 =	sadd.s32 s7, s23  }
0x24: {  	[tilespmem:s25], [sflag:$0x1] =	stream.strided.gather [hbm4b:s6+s16], $0x200, s17, s16, $0x38;
	[tilespmem:$0x3110] =	vst v63  }
0x25: {  	_ =	swait.ge [sflag:s26], $0x200  }
0x26: {  	[sflag:s26] =	ssyncset.done $0x0  }
0x27: {  	[sflag:s26] =	ssyncadd.s32 $0xFFFFFE00  }
0x28: {  	_ =	swait.ge [sflag:s26], $0x200  }
0x29: {  	[sflag:s26] =	ssyncset.done $0x0  }
0x2a: {  	s28 =	smul.u32 $0x28600, s2;
	s6 =	simm.s32 $0x0;
	[sflag:s26] =	ssyncadd.s32 $0xFFFFFE00  }
0x2b: {  	s29 =	smul.u32 $0x14300, s5;
	v1 =	vld [tilespmem:s6+$0x1B80]  }
0x2c: {  	v5 =	vld [tilespmem:s6+$0x400]  }
0x2d: {  	v0 =	vmov s28;
	s30 =	sadd.s32 $0xA180, s29;
	s31 =	sshll.u32 s2, $0x4;
	s7 =	sadd.s32 $0xA180, s28  }
0x2e: {  	s5 =	sadd.s32 $0xC00, s4;
	v2 =	vmov s29;
	v4 =	vmov s30;
	s4 =	sadd.s32 s31, s3;
	v3 =	vmov s7;
	s7 =	simm.s32 $0x40  }
.LBB2_2:
0x2f: {  	p0 =	sne.s32 s7, $0x7C0  }
.Ltmp1:
0x30: {  	s8 =	sshra.s32 s7, $0x2;
	s7 =	sadd.s32 $0x40, s7;
	v6 =	vadd.s32 v2, v1;
	v7 =	vadd.s32 v4, v1;
	(pc) =	sbr.rel @p0 .LBB2_2-.Ltmp1, $4  }
0x31: {  	v1 =	vld [tilespmem:s8+$0x1B80];
	v8 =	vadd.s32 v0, v5;
	v9 =	vadd.s32 v3, v5;
	[tilespmem:s6+$0x2880] =	vst v7  }
0x32: {  	v5 =	vld [tilespmem:s8+$0x400];
	[tilespmem:s6+$0xF00] =	vst v8  }
0x33: {  	[tilespmem:s6+$0x1100] =	vst v9  }
0x34: {  	[tilespmem:s6+$0x2680] =	vst v6;
	s6 =	smov.u32 s8  }
0x35: {  	_ = 	snop  }
0x36: {  	v4 =	vadd.s32 v4, v1  }
0x37: {  	v0 =	vadd.s32 v0, v5;
	[tilespmem:s6+$0x2880] =	vst v4  }
0x38: {  	v3 =	vadd.s32 v3, v5;
	[tilespmem:s6+$0xF00] =	vst v0  }
0x39: {  	v0 =	vadd.s32 v2, v1;
	[tilespmem:s6+$0x1100] =	vst v3  }
0x3a: {  	s7 =	simm.s32 $0xF00;
	s8 =	simm.s32 $0x1300;
	[tilespmem:s6+$0x2680] =	vst v0;
	s6 =	simm.s32 $0x80  }
0x3b: {  	[tilespmem:s8], [sflag:$0x3] =	stream.indirect.gather [hbm4b:s5+s6], $0x1, s7, s6, $0xb8;
	[tilespmem:$0x3110] =	vst v63  }
0x3c: {  	s23 =	simm.s32 $0x1100;
	s24 =	simm.s32 $0x1500  }
0x3d: {  	[tilespmem:s24], [sflag:$0x3] =	stream.indirect.gather [hbm4b:s5+s6], $0x1, s23, s6, $0xb8;
	[tilespmem:$0x3110] =	vst v63  }
0x3e: {  	s25 =	simm.s32 $0xF80;
	s26 =	simm.s32 $0x1380  }
0x3f: {  	[tilespmem:s26], [sflag:$0x3] =	stream.indirect.gather [hbm4b:s5+s6], $0x1, s25, s6, $0xb8;
	[tilespmem:$0x3110] =	vst v63  }
0x40: {  	s28 =	simm.s32 $0x1180;
	s29 =	simm.s32 $0x1580  }
0x41: {  	[tilespmem:s29], [sflag:$0x3] =	stream.indirect.gather [hbm4b:s5+s6], $0x1, s28, s6, $0xb8;
	[tilespmem:$0x3110] =	vst v63  }
0x42: {  	s30 =	simm.s32 $0x1000;
	s31 =	simm.s32 $0x1400  }
0x43: {  	[tilespmem:s31], [sflag:$0x3] =	stream.indirect.gather [hbm4b:s5+s6], $0x1, s30, s6, $0xb8;
	[tilespmem:$0x3110] =	vst v63  }
0x44: {  	s9 =	simm.s32 $0x1200;
	s10 =	simm.s32 $0x1600  }
0x45: {  	[tilespmem:s10], [sflag:$0x3] =	stream.indirect.gather [hbm4b:s5+s6], $0x1, s9, s6, $0xb8;
	[tilespmem:$0x3110] =	vst v63  }
0x46: {  	s11 =	simm.s32 $0x1080;
	s12 =	simm.s32 $0x1480  }
0x47: {  	[tilespmem:s12], [sflag:$0x3] =	stream.indirect.gather [hbm4b:s5+s6], $0x1, s11, s6, $0xb8;
	[tilespmem:$0x3110] =	vst v63  }
0x48: {  	s13 =	simm.s32 $0x1280;
	s14 =	simm.s32 $0x1680  }
0x49: {  	[tilespmem:s14], [sflag:$0x3] =	stream.indirect.gather [hbm4b:s5+s6], $0x1, s13, s6, $0xb8;
	[tilespmem:$0x3110] =	vst v63  }
0x4a: {  	s15 =	simm.s32 $0x2680;
	s16 =	simm.s32 $0x2A80  }
0x4b: {  	[tilespmem:s16], [sflag:$0x3] =	stream.indirect.gather [hbm4b:s5+s6], $0x1, s15, s6, $0xb8;
	[tilespmem:$0x3110] =	vst v63  }
0x4c: {  	s17 =	simm.s32 $0x2880;
	s18 =	simm.s32 $0x2C80  }
0x4d: {  	[tilespmem:s18], [sflag:$0x3] =	stream.indirect.gather [hbm4b:s5+s6], $0x1, s17, s6, $0xb8;
	[tilespmem:$0x3110] =	vst v63  }
0x4e: {  	s19 =	simm.s32 $0x2700;
	s20 =	simm.s32 $0x2B00  }
0x4f: {  	[tilespmem:s20], [sflag:$0x3] =	stream.indirect.gather [hbm4b:s5+s6], $0x1, s19, s6, $0xb8;
	[tilespmem:$0x3110] =	vst v63  }
0x50: {  	s21 =	simm.s32 $0x2900;
	s22 =	simm.s32 $0x2D00  }
0x51: {  	[tilespmem:s22], [sflag:$0x3] =	stream.indirect.gather [hbm4b:s5+s6], $0x1, s21, s6, $0xb8;
	[tilespmem:$0x3110] =	vst v63  }
0x52: {  	s23 =	simm.s32 $0x2780;
	s24 =	simm.s32 $0x2B80  }
0x53: {  	[tilespmem:s24], [sflag:$0x3] =	stream.indirect.gather [hbm4b:s5+s6], $0x1, s23, s6, $0xb8;
	[tilespmem:$0x3110] =	vst v63  }
0x54: {  	s25 =	simm.s32 $0x2980;
	s26 =	simm.s32 $0x2D80  }
0x55: {  	[tilespmem:s26], [sflag:$0x3] =	stream.indirect.gather [hbm4b:s5+s6], $0x1, s25, s6, $0xb8;
	[tilespmem:$0x3110] =	vst v63  }
0x56: {  	s28 =	simm.s32 $0x2800;
	s29 =	simm.s32 $0x2C00  }
0x57: {  	[tilespmem:s29], [sflag:$0x3] =	stream.indirect.gather [hbm4b:s5+s6], $0x1, s28, s6, $0xb8;
	[tilespmem:$0x3110] =	vst v63  }
0x58: {  	s30 =	simm.s32 $0x2A00;
	s31 =	simm.s32 $0x2E00  }
0x59: {  	[tilespmem:s31], [sflag:$0x3] =	stream.indirect.gather [hbm4b:s5+s6], $0x1, s30, s6, $0xb8;
	[tilespmem:$0x3110] =	vst v63  }
0x5a: {  	v1 =	vimm.s32 $0xFFFFFFFF;
	v0 =	vimm.s32 $0x0;
	s6 =	simm.s32 $0x40;
	s5 =	simm.s32 $0x0  }
.LBB2_4:
0x5b: {  	p0 =	sne.s32 s6, $0x940;
	[tilespmem:s5+$0x2400] =	vst v1;
	s7 =	smov.u32 s6;
	s6 =	sadd.s32 $0x40, s6  }
.Ltmp2:
0x5c: {  	[tilespmem:s5+$0x2180] =	vst v0;
	(pc) =	sbr.rel @p0 .LBB2_4-.Ltmp2, $3  }
0x5d: {  	[tilespmem:s5+$0xA00] =	vst v0  }
0x5e: {  	[tilespmem:s5+$0xC80] =	vst v1;
	_ =	sdelay $0x1  }
0x5f: {  	s5 =	sshra.s32 s7, $0x2  }
0x60: {  	[tilespmem:s5+$0x2400] =	vst v1  }
0x61: {  	[tilespmem:s5+$0x2180] =	vst v0  }
0x62: {  	[tilespmem:s5+$0xA00] =	vst v0  }
0x63: {  	[tilespmem:s5+$0xC80] =	vst v1;
	s31 =	simm.s32 $0x1  }
0x64: {  	_ =	swait.ge [sflag:s31], $0x200  }
0x65: {  	[sflag:s31] =	ssyncset.done $0x0  }
0x66: {  	[sflag:s31] =	ssyncadd.s32 $0xFFFFFE00  }
0x67: {  	_ =	swait.ge [sflag:s31], $0x200  }
0x68: {  	[sflag:s31] =	ssyncset.done $0x0  }
0x69: {  	[sflag:s31] =	ssyncadd.s32 $0xFFFFFE00  }
0x6a: {  	_ =	swait.ge [sflag:s31], $0x200  }
0x6b: {  	[sflag:s31] =	ssyncset.done $0x0  }
0x6c: {  	[sflag:s31] =	ssyncadd.s32 $0xFFFFFE00  }
0x6d: {  	_ =	swait.ge [sflag:s31], $0x200  }
0x6e: {  	[sflag:s31] =	ssyncset.done $0x0  }
0x6f: {  	[sflag:s31] =	ssyncadd.s32 $0xFFFFFE00  }
0x70: {  	_ =	swait.ge [sflag:s31], $0x200  }
0x71: {  	[sflag:s31] =	ssyncset.done $0x0  }
0x72: {  	[sflag:s31] =	ssyncadd.s32 $0xFFFFFE00  }
0x73: {  	_ =	swait.ge [sflag:s31], $0x200  }
0x74: {  	v0 =	vimm.s32 $0xFFEDCBA9;
	v1 =	vimm.s32 $0x87654321;
	[sflag:s31] =	ssyncset.done $0x0  }
0x75: {  	v0 =	vunpack.c.l.s4.s8 v0;
	v1 =	vunpack.c.l.s4.s8 v1;
	[sflag:s31] =	ssyncadd.s32 $0xFFFFFE00  }
0x76: {  	s5 =	simm.s32 $0x0;
	_ =	swait.ge [sflag:s31], $0x200  }
0x77: {  	s6 =	simm.s32 $0x200;
	s7 =	simm.s32 $0x1780;
	v0 =	vunpack.c.0.s8.s32 v0;
	v1 =	vunpack.c.0.s8.s32 v1;
	[sflag:s31] =	ssyncset.done $0x0  }
0x78: {  	s8 =	simm.s32 $0x1980;
	s9 =	simm.s32 $0xA00;
	[sflag:s31] =	ssyncadd.s32 $0xFFFFFE00  }
0x79: {  	s10 =	simm.s32 $0x1700;
	s11 =	simm.s32 $0xC80;
	v2 =	vcombine.low v1, v0;
	_ =	swait.ge [sflag:s31], $0x200  }
0x7a: {  	s12 =	simm.s32 $0x2180;
	vm0 =	vcmask $0x3F3C;
	s13 =	simm.s32 $0x2E80;
	[sflag:s31] =	ssyncset.done $0x0  }
0x7b: {  	s14 =	simm.s32 $0x2400;
	s15 =	simm.s32 $0x0;
	v0 =	vimm.s32 $0x1;
	v1 =	vlaneseq.u32;
	v2 =	vand.u32 $0xF, v2;
	[sflag:s31] =	ssyncadd.s32 $0xFFFFFE00  }
.LBB2_6:
0x7c: {  	v3 =	vld [tilespmem:s5+$0x0];
	_ =	sdelay $0x7  }
0x7d: {  	[tilespmem:v3+s9+$0x0] =	vst.idx.add.s32.msk $0xffff, v0  }
0x7e: {  	v3 =	vld [tilespmem:s6+$0x0];
	_ =	sdelay $0x4  }
0x7f: {  	v3 =	vshll.u32 v3, $0x4  }
0x80: {  	v3 =	vor.u32 v1, v3  }
0x81: {  	(xrf1) =	vsort.ascd.msk.u32 $0xffff, v3, v3;
	_ =	sdelay $0xd  }
0x82: {  	v3, _, _ =	vpop (xrf1)  }
0x83: {  	v4 =	vshrl.u32 v3, $0x4  }
0x84: {  	[tilespmem:$0x1700] =	vst v4  }
0x85: {  	v5 =	vld.idx.msk [tilespmem:v2+s10+$0x0], $0xffff;
	_ =	sdelay $0x4  }
0x86: {  	vm1 =	vne.s32 v4, v5  }
0x87: {  	vm1 =	vmor vm1, vm0;
	_ =	sdelay $0x3  }
0x88: {  	v3 =	vand.u32 $0xF, v3  }
0x89: {  	v3 =	vor.u32 s15, v3  }
0x8a: {  	[tilespmem:v4+s11+$0x0] =	vst.idx.msk vm1, v3  }
0x8b: {  	v3 =	vld [tilespmem:s7+$0x0];
	_ =	sdelay $0x7  }
0x8c: {  	[tilespmem:v3+s12+$0x0] =	vst.idx.add.s32.msk $0xffff, v0  }
0x8d: {  	v3 =	vld [tilespmem:s8+$0x0];
	_ =	sdelay $0x4  }
0x8e: {  	v3 =	vshll.u32 v3, $0x4  }
0x8f: {  	v3 =	vor.u32 v1, v3  }
0x90: {  	(xrf1) =	vsort.ascd.msk.u32 $0xffff, v3, v3;
	_ =	sdelay $0xd  }
0x91: {  	v3, _, _ =	vpop (xrf1)  }
0x92: {  	v62 =	vshrl.u32 v3, $0x4  }
0x93: {  	[tilespmem:$0x2E80] =	vst v62  }
0x94: {  	v63 =	vld.idx.msk [tilespmem:v2+s13+$0x0], $0xffff;
	_ =	sdelay $0x4  }
0x95: {  	vm1 =	vne.s32 v62, v63  }
0x96: {  	vm1 =	vmor vm1, vm0  }
0x97: {  	p0 =	sne.s32 s15, $0x1F0  }
.Ltmp3:
0x98: {  	_ = 	snop;
	(pc) =	sbr.rel @p0 .LBB2_6-.Ltmp3, $4  }
0x99: {  	_ = 	snop  }
0x9a: {  	v3 =	vand.u32 $0xF, v3  }
0x9b: {  	s5 =	sadd.s32 $0x10, s5;
	s6 =	sadd.s32 $0x10, s6;
	v3 =	vor.u32 s15, v3  }
0x9c: {  	s7 =	sadd.s32 $0x10, s7;
	s8 =	sadd.s32 $0x10, s8;
	s15 =	sadd.s32 $0x10, s15;
	[tilespmem:v62+s14+$0x0] =	vst.idx.msk vm1, v3  }
0x9d: {  	s5 =	simm.s32 $0x3  }
0x9e: {  	_ =	swait.ge [sflag:s5], $0x80  }
0x9f: {  	[sflag:s5] =	ssyncset.done $0x0  }
0xa0: {  	[sflag:s5] =	ssyncadd.s32 $0xFFFFFF80  }
0xa1: {  	_ =	swait.ge [sflag:s5], $0x80  }
0xa2: {  	[sflag:s5] =	ssyncset.done $0x0  }
0xa3: {  	[sflag:s5] =	ssyncadd.s32 $0xFFFFFF80  }
0xa4: {  	_ =	swait.ge [sflag:s5], $0x80  }
0xa5: {  	[sflag:s5] =	ssyncset.done $0x0  }
0xa6: {  	[sflag:s5] =	ssyncadd.s32 $0xFFFFFF80  }
0xa7: {  	_ =	swait.ge [sflag:s5], $0x80  }
0xa8: {  	[sflag:s5] =	ssyncset.done $0x0  }
0xa9: {  	[sflag:s5] =	ssyncadd.s32 $0xFFFFFF80  }
0xaa: {  	_ =	swait.ge [sflag:s5], $0x80  }
0xab: {  	[sflag:s5] =	ssyncset.done $0x0  }
0xac: {  	[sflag:s5] =	ssyncadd.s32 $0xFFFFFF80  }
0xad: {  	_ =	swait.ge [sflag:s5], $0x80  }
0xae: {  	[sflag:s5] =	ssyncset.done $0x0  }
0xaf: {  	[sflag:s5] =	ssyncadd.s32 $0xFFFFFF80  }
0xb0: {  	_ =	swait.ge [sflag:s5], $0x80  }
0xb1: {  	[sflag:s5] =	ssyncset.done $0x0  }
0xb2: {  	[sflag:s5] =	ssyncadd.s32 $0xFFFFFF80  }
0xb3: {  	_ =	swait.ge [sflag:s5], $0x80  }
0xb4: {  	[sflag:s5] =	ssyncset.done $0x0  }
0xb5: {  	[sflag:s5] =	ssyncadd.s32 $0xFFFFFF80  }
0xb6: {  	_ =	swait.ge [sflag:s5], $0x80  }
0xb7: {  	[sflag:s5] =	ssyncset.done $0x0  }
0xb8: {  	[sflag:s5] =	ssyncadd.s32 $0xFFFFFF80  }
0xb9: {  	_ =	swait.ge [sflag:s5], $0x80  }
0xba: {  	[sflag:s5] =	ssyncset.done $0x0  }
0xbb: {  	[sflag:s5] =	ssyncadd.s32 $0xFFFFFF80  }
0xbc: {  	_ =	swait.ge [sflag:s5], $0x80  }
0xbd: {  	[sflag:s5] =	ssyncset.done $0x0  }
0xbe: {  	[sflag:s5] =	ssyncadd.s32 $0xFFFFFF80  }
0xbf: {  	_ =	swait.ge [sflag:s5], $0x80  }
0xc0: {  	[sflag:s5] =	ssyncset.done $0x0  }
0xc1: {  	[sflag:s5] =	ssyncadd.s32 $0xFFFFFF80  }
0xc2: {  	_ =	swait.ge [sflag:s5], $0x80  }
0xc3: {  	[sflag:s5] =	ssyncset.done $0x0  }
0xc4: {  	[sflag:s5] =	ssyncadd.s32 $0xFFFFFF80  }
0xc5: {  	_ =	swait.ge [sflag:s5], $0x80  }
0xc6: {  	[sflag:s5] =	ssyncset.done $0x0  }
0xc7: {  	[sflag:s5] =	ssyncadd.s32 $0xFFFFFF80  }
0xc8: {  	_ =	swait.ge [sflag:s5], $0x80  }
0xc9: {  	[sflag:s5] =	ssyncset.done $0x0  }
0xca: {  	[sflag:s5] =	ssyncadd.s32 $0xFFFFFF80  }
0xcb: {  	_ =	swait.ge [sflag:s5], $0x80  }
0xcc: {  	[sflag:s5] =	ssyncset.done $0x0  }
0xcd: {  	s6 =	simm.s32 $0x0;
	[sflag:s5] =	ssyncadd.s32 $0xFFFFFF80  }
0xce: {  	v11 =	vld [tilespmem:s6+$0x0];
	_ =	sdelay $0x1  }
0xcf: {  	v13 =	vld [tilespmem:s6+$0x1780];
	_ =	sdelay $0x4  }
0xd0: {  	s12 =	simm.s32 $0xC80  }
0xd1: {  	v5 =	vld.idx.msk [tilespmem:v11+s12+$0x0], $0xffff  }
0xd2: {  	s11 =	simm.s32 $0x2400  }
0xd3: {  	v9 =	vld.idx.msk [tilespmem:v13+s11+$0x0], $0xffff;
	_ =	sdelay $0x2  }
0xd4: {  	vm0 =	vgt.s32 v5, $0x0  }
0xd5: {  	v0 =	vnsel vm0, $0x0, v5  }
0xd6: {  	s10 =	simm.s32 $0x10;
	vm0 =	vgt.s32 v9, $0x0  }
0xd7: {  	v1 =	vld [tilespmem:s10+$0x0];
	v2 =	vnsel vm0, $0x0, v9;
	_ =	sdelay $0x1  }
0xd8: {  	s8 =	simm.s32 $0x600;
	v3 =	vld [tilespmem:s10+$0x1780]  }
0xd9: {  	v12 =	vld.idx.msk [tilespmem:v0+s8+$0x0], $0xffff  }
0xda: {  	s7 =	simm.s32 $0x1D80  }
0xdb: {  	v10 =	vld.idx.msk [tilespmem:v2+s7+$0x0], $0xffff  }
0xdc: {  	v4 =	vld [tilespmem:s6+$0x800]  }
0xdd: {  	v0 =	vld [tilespmem:s6+$0x1F80]  }
0xde: {  	v2 =	vld.idx.msk [tilespmem:v1+s12+$0x0], $0xffff;
	v7 =	vcvt.s32.f32 v12  }
0xdf: {  	v18 =	vld [tilespmem:s6+$0x2A80]  }
0xe0: {  	v6 =	vld.idx.msk [tilespmem:v3+s11+$0x0], $0xffff;
	v14 =	vcvt.s32.f32 v10;
	v15 =	vadd.f32 $5.000000000e-01, v7  }
0xe1: {  	v8 =	vimm.f32 $0.0e+00;
	v25 =	vld [tilespmem:s6+$0x2C80]  }
0xe2: {  	v22 =	vld [tilespmem:s6+$0x1500];
	vm0 =	vne.s32 v13, $0x0;
	v16 =	vadd.f32 $5.000000000e-01, v14;
	v17 =	vmul.f32 $3.676470600e-03, v15  }
0xe3: {  	v26 =	vcvt.s32.f32 v0;
	vm1 =	vgt.s32 v2, $0x0;
	v7 =	vimm.s32 $0x0;
	v14 =	vld [tilespmem:s6+$0x1300]  }
0xe4: {  	s5 =	simm.s32 $0x2180;
	v19 =	vnsel vm1, $0x0, v2;
	v20 =	vmul.f32 $3.676470600e-03, v16;
	v17 =	vtrunc.f32 v17  }
0xe5: {  	vm1 =	vgt.s32 v6, $0x0;
	s6 =	simm.s32 $0xA00;
	v15 =	vcvt.s32.f32 v4;
	v16 =	vld.idx.msk [tilespmem:v13+s5+$0x0], $0xffff;
	v21 =	vcvt.f32.s32 v17  }
0xe6: {  	v13 =	vmul.f32 v26, v18;
	v17 =	vnsel vm1, $0x0, v6;
	v23 =	vtrunc.f32 v20;
	v20 =	vld.idx.msk [tilespmem:v11+s6+$0x0], $0xffff  }
0xe7: {  	s9 =	simm.s32 $0x20;
	s13 =	simm.s32 $0xC0;
	v18 =	vmul.f32 v26, v25;
	v23 =	vcvt.f32.s32 v23;
	v24 =	vmul.u32 $0xFFFFFEF0, v21  }
.LBB2_8:
0xe8: {  	p0 =	sne.s32 s13, $0x7C0;
	vm2 =	vne.s32 v11, $0x0;
	v14 =	vmul.f32 v15, v14;
	v15 =	vmul.f32 v15, v22;
	v11 =	vmovc v1;
	v1 =	vld [tilespmem:s9+$0x0]  }
0xe9: {  	vm1 =	vgt.s32 v9, $0xFFFFFFFF;
	v9 =	vmovc v6;
	v25 =	vld [tilespmem:s9+$0x1780];
	v22 =	vadd.s32 v12, v24;
	v24 =	vmul.u32 $0xFFFFFEF0, v23  }
0xea: {  	v6 =	vcvt.s32.f32 v21;
	vm3 =	veq.s32 v16, $0x1;
	v12 =	vld.idx.msk [tilespmem:v19+s8+$0x0], $0xffff;
	v19 =	vcvt.s32.f32 v22  }
0xeb: {  	v16 =	vcvt.s32.f32 v23;
	vm4 =	veq.s32 v20, $0x1;
	v20 =	vadd.s32 v10, v24;
	v10 =	vld.idx.msk [tilespmem:v17+s7+$0x0], $0xffff  }
0xec: {  	v6 =	vsub.f32 v15, v6;
	v14 =	vsub.f32 v14, v19;
	v15 =	vcvt.s32.f32 v20  }
0xed: {  	vm2 =	vmand vm2, vm4;
	vm4 =	vgt.s32 v5, $0xFFFFFFFF;
	v16 =	vsub.f32 v18, v16;
	v5 =	vmovc v2  }
0xee: {  	v6 =	vand.u32 $0x7FFFFFFF, v6;
	v17 =	vld [tilespmem:s10+$0x1F80];
	v2 =	vand.u32 $0x7FFFFFFF, v14;
	v13 =	vsub.f32 v13, v15  }
0xef: {  	vm0 =	vmand vm0, vm3;
	vm2 =	vmand vm2, vm4;
	v15 =	vld [tilespmem:s10+$0x800];
	v14 =	vadd.f32 v2, v6  }
0xf0: {  	v16 =	vand.u32 $0x7FFFFFFF, v16;
	v18 =	vcvt.s32.f32 v12;
	v2 =	vld.idx.msk [tilespmem:v1+s12+$0x0], $0xffff;
	v13 =	vand.u32 $0x7FFFFFFF, v13  }
0xf1: {  	v19 =	vcvt.s32.f32 v10;
	v6 =	vld.idx.msk [tilespmem:v25+s11+$0x0], $0xffff;
	v14 =	vnsel vm2, $0x0, v14;
	v13 =	vadd.f32 v13, v16  }
0xf2: {  	vm0 =	vmand vm0, vm1;
	v16 =	vadd.f32 $5.000000000e-01, v18;
	v18 =	vld [tilespmem:s10+$0x2A80];
	v8 =	vadd.f32 v14, v8  }
0xf3: {  	v20 =	vadd.s32 v7, v4;
	v19 =	vadd.f32 $5.000000000e-01, v19;
	v26 =	vld [tilespmem:s10+$0x2C80];
	v7 =	vnsel vm0, $0x0, v13  }
0xf4: {  	v13 =	vmul.f32 $3.676470600e-03, v16;
	v14 =	vld [tilespmem:s10+$0x1300];
	v8 =	vadd.f32 v7, v8;
	v7 =	vadd.s32 v0, v20;
	v0 =	vmovc v17;
	v4 =	vmovc v15  }
.Ltmp4:
0xf5: {  	vm0 =	vne.s32 v3, $0x0;
	v15 =	vcvt.s32.f32 v4;
	v22 =	vld [tilespmem:s10+$0x1500];
	v27 =	vcvt.s32.f32 v0;
	s10 =	smov.u32 s9;
	(pc) =	sbr.rel @p0 .LBB2_8-.Ltmp4, $4  }
0xf6: {  	v23 =	vmul.f32 $3.676470600e-03, v19;
	vm1 =	vgt.s32 v2, $0x0;
	v13 =	vtrunc.f32 v13;
	v16 =	vld.idx.msk [tilespmem:v3+s5+$0x0], $0xffff;
	v3 =	vmovc v25  }
0xf7: {  	v19 =	vnsel vm1, $0x0, v2;
	vm1 =	vgt.s32 v6, $0x0;
	v21 =	vcvt.f32.s32 v13;
	v20 =	vld.idx.msk [tilespmem:v11+s6+$0x0], $0xffff  }
0xf8: {  	v23 =	vtrunc.f32 v23;
	v17 =	vnsel vm1, $0x0, v6;
	v13 =	vmul.f32 v27, v18  }
0xf9: {  	s9 =	sshra.s32 s13, $0x2;
	s13 =	sadd.s32 $0x40, s13;
	v23 =	vcvt.f32.s32 v23;
	v24 =	vmul.u32 $0xFFFFFEF0, v21;
	v18 =	vmul.f32 v27, v26  }
0xfa: {  	_ =	sdelay $0x1  }
0xfb: {  	vm2 =	vne.s32 v11, $0x0;
	v11 =	vld [tilespmem:s9+$0x0]  }
0xfc: {  	v14 =	vmul.f32 v15, v14;
	v48 =	vmul.f32 v15, v22;
	v22 =	vld [tilespmem:s9+$0x1780]  }
0xfd: {  	vm1 =	vgt.s32 v9, $0xFFFFFFFF;
	v19 =	vld.idx.msk [tilespmem:v19+s8+$0x0], $0xffff;
	v21 =	vcvt.s32.f32 v21;
	vm15 =	vgt.s32 v5, $0xFFFFFFFF  }
0xfe: {  	v50 =	vld.idx.msk [tilespmem:v17+s7+$0x0], $0xffff;
	v4 =	vadd.s32 v7, v4;
	vm10 =	vne.s32 v3, $0x0;
	vm11 =	vne.s32 v1, $0x0  }
0xff: {  	v55 =	vld [tilespmem:s10+$0x1F80];
	vm12 =	vgt.s32 v6, $0xFFFFFFFF;
	v12 =	vadd.s32 v12, v24;
	v49 =	vmul.u32 $0xFFFFFEF0, v23  }
0x100: {  	v56 =	vld [tilespmem:s10+$0x800];
	vm3 =	veq.s32 v16, $0x1;
	v51 =	vcvt.s32.f32 v23;
	v0 =	vadd.s32 v0, v4  }
0x101: {  	v32 =	vld.idx.msk [tilespmem:v3+s5+$0x0], $0xffff;
	v12 =	vcvt.s32.f32 v12;
	vm4 =	veq.s32 v20, $0x1;
	v53 =	vsub.f32 v48, v21  }
0x102: {  	v34 =	vld.idx.msk [tilespmem:v1+s6+$0x0], $0xffff;
	vm0 =	vmand vm0, vm3;
	v9 =	vadd.s32 v10, v49;
	vm2 =	vmand vm2, vm4  }
0x103: {  	v44 =	vld [tilespmem:s9+$0x800];
	v54 =	vsub.f32 v18, v51;
	vm0 =	vmand vm0, vm1;
	v52 =	vsub.f32 v14, v12  }
0x104: {  	v61 =	vld [tilespmem:s10+$0x2A80];
	v9 =	vcvt.s32.f32 v9;
	v12 =	vand.u32 $0x7FFFFFFF, v53;
	vm2 =	vmand vm2, vm15  }
0x105: {  	vm15 =	vgt.s32 v2, $0xFFFFFFFF;
	v57 =	vcvt.s32.f32 v19;
	v58 =	vcvt.s32.f32 v50;
	v15 =	vld.idx.msk [tilespmem:v11+s12+$0x0], $0xffff  }
0x106: {  	v5 =	vand.u32 $0x7FFFFFFF, v54;
	v29 =	vcvt.s32.f32 v56;
	v31 =	vcvt.s32.f32 v55  }
0x107: {  	vm13 =	veq.s32 v32, $0x1;
	vm14 =	veq.s32 v34, $0x1;
	v10 =	vand.u32 $0x7FFFFFFF, v52;
	v59 =	vld.idx.msk [tilespmem:v22+s11+$0x0], $0xffff  }
0x108: {  	v63 =	vld [tilespmem:s10+$0x2C80];
	v9 =	vsub.f32 v13, v9;
	v52 =	vcvt.s32.f32 v44;
	v10 =	vadd.f32 v10, v12  }
0x109: {  	v60 =	vadd.f32 $5.000000000e-01, v57;
	v62 =	vadd.f32 $5.000000000e-01, v58;
	v12 =	vmul.f32 v31, v61  }
0x10a: {  	v28 =	vld [tilespmem:s10+$0x1300];
	v9 =	vand.u32 $0x7FFFFFFF, v9;
	v10 =	vnsel vm2, $0x0, v10;
	vm8 =	vgt.s32 v15, $0x0  }
0x10b: {  	v30 =	vld [tilespmem:s10+$0x1500];
	v5 =	vadd.f32 v9, v5;
	v9 =	vmul.f32 $3.676470600e-03, v60;
	v33 =	vnsel vm8, $0x0, v15  }
0x10c: {  	v41 =	vld [tilespmem:s9+$0x1F80];
	v8 =	vadd.f32 v10, v8;
	v10 =	vmul.f32 $3.676470600e-03, v62;
	vm9 =	vgt.s32 v59, $0x0  }
0x10d: {  	v17 =	vmul.f32 v31, v63;
	v9 =	vtrunc.f32 v9;
	v25 =	vnsel vm9, $0x0, v59  }
0x10e: {  	v0 =	vadd.s32 v0, v56;
	v9 =	vcvt.f32.s32 v9;
	v10 =	vtrunc.f32 v10  }
0x10f: {  	v0 =	vadd.s32 v55, v0;
	v35 =	vmul.f32 v29, v28;
	v10 =	vcvt.f32.s32 v10  }
0x110: {  	v36 =	vmul.f32 v29, v30;
	v0 =	vadd.s32 v0, v44;
	v26 =	vmul.u32 $0xFFFFFEF0, v9;
	v3 =	vld.idx.msk [tilespmem:v33+s8+$0x0], $0xffff  }
0x111: {  	v0 =	vadd.s32 v41, v0;
	vm2 =	vmand vm11, vm14;
	v38 =	vmul.u32 $0xFFFFFEF0, v10  }
0x112: {  	v5 =	vnsel vm0, $0x0, v5;
	v9 =	vcvt.s32.f32 v9;
	v37 =	vadd.s32 v19, v26;
	v39 =	vld.idx.msk [tilespmem:v25+s7+$0x0], $0xffff  }
0x113: {  	v5 =	vadd.f32 v5, v8;
	v8 =	vcvt.s32.f32 v37;
	v6 =	vadd.s32 v50, v38  }
0x114: {  	v10 =	vcvt.s32.f32 v10;
	v7 =	vsub.f32 v36, v9;
	v6 =	vcvt.s32.f32 v6  }
0x115: {  	v49 =	vld [tilespmem:s9+$0x1300];
	vm2 =	vmand vm2, vm15;
	v1 =	vsub.f32 v35, v8;
	v42 =	vcvt.s32.f32 v3  }
0x116: {  	v40 =	vsub.f32 v17, v10;
	v7 =	vand.u32 $0x7FFFFFFF, v7;
	v6 =	vsub.f32 v12, v6  }
0x117: {  	v51 =	vld [tilespmem:s9+$0x1500];
	v1 =	vand.u32 $0x7FFFFFFF, v1;
	v43 =	vcvt.s32.f32 v39;
	v45 =	vadd.f32 $5.000000000e-01, v42  }
0x118: {  	v46 =	vld [tilespmem:s9+$0x2A80];
	v2 =	vand.u32 $0x7FFFFFFF, v40;
	v1 =	vadd.f32 v1, v7;
	v6 =	vand.u32 $0x7FFFFFFF, v6  }
0x119: {  	v53 =	vld.idx.msk [tilespmem:v11+s6+$0x0], $0xffff;
	v2 =	vadd.f32 v6, v2;
	v47 =	vadd.f32 $5.000000000e-01, v43;
	v6 =	vmul.f32 $3.676470600e-03, v45  }
0x11a: {  	v55 =	vld.idx.msk [tilespmem:v22+s5+$0x0], $0xffff;
	v56 =	vmul.f32 v52, v49;
	vm0 =	vmand vm10, vm13;
	v1 =	vnsel vm2, $0x0, v1  }
0x11b: {  	v1 =	vadd.f32 v1, v5;
	v5 =	vmul.f32 $3.676470600e-03, v47;
	v6 =	vtrunc.f32 v6  }
0x11c: {  	v57 =	vmul.f32 v52, v51;
	vm0 =	vmand vm0, vm12;
	v6 =	vcvt.f32.s32 v6  }
0x11d: {  	v48 =	vld [tilespmem:s9+$0x2C80];
	vm10 =	vgt.s32 v59, $0xFFFFFFFF;
	v50 =	vcvt.s32.f32 v41;
	v5 =	vtrunc.f32 v5  }
0x11e: {  	vm11 =	veq.s32 v53, $0x1;
	v5 =	vcvt.f32.s32 v5;
	v54 =	vmul.u32 $0xFFFFFEF0, v6  }
0x11f: {  	(xrf0) =	vadd.scan.msk.s32 $0xffff, v0;
	vm12 =	veq.s32 v55, $0x1;
	vm13 =	vgt.s32 v15, $0xFFFFFFFF;
	v4 =	vmul.f32 v50, v46  }
0x120: {  	v2 =	vnsel vm0, $0x0, v2;
	v58 =	vmul.u32 $0xFFFFFEF0, v5;
	v3 =	vadd.s32 v3, v54  }
0x121: {  	v1 =	vadd.f32 v2, v1;
	v6 =	vcvt.s32.f32 v6;
	v3 =	vcvt.s32.f32 v3  }
0x122: {  	v2 =	vmul.f32 v50, v48;
	v5 =	vcvt.s32.f32 v5;
	v9 =	vadd.s32 v39, v58  }
0x123: {  	v0 =	vsub.f32 v57, v6;
	v59 =	vcvt.s32.f32 v9;
	v3 =	vsub.f32 v56, v3  }
0x124: {  	vm8 =	vne.s32 v22, $0x0;
	vm9 =	vne.s32 v11, $0x0;
	v2 =	vsub.f32 v2, v5  }
0x125: {  	v60, _, _ =	vpop (xrf0);
	v0 =	vand.u32 $0x7FFFFFFF, v0;
	v4 =	vsub.f32 v4, v59;
	v3 =	vand.u32 $0x7FFFFFFF, v3  }
0x126: {  	vm1 =	vmand vm9, vm11;
	(v2sf) =	vpush v60, $0xF;
	v0 =	vadd.f32 v3, v0  }
0x127: {  	vm1 =	vmand vm1, vm13;
	v2 =	vand.u32 $0x7FFFFFFF, v2;
	v61 =	vand.u32 $0x7FFFFFFF, v4  }
0x128: {  	vm0 =	vmand vm8, vm12;
	v2 =	vadd.f32 v61, v2;
	v0 =	vnsel vm1, $0x0, v0  }
0x129: {  	vm0 =	vmand vm0, vm10;
	v0 =	vadd.f32 v0, v1  }
0x12a: {  	v62 =	vnsel vm0, $0x0, v2  }
0x12b: {  	v0 =	vadd.f32 v62, v0;
	_ =	sdelay $0x1  }
0x12c: {  	(xrf2) =	vadd.scan.msk.f32 $0xffff, v0;
	_ =	sdelay $0x7  }
0x12d: {  	s29 =	spop (v2sf)  }
0x12e: {  	s5 =	scvt.s32.f32 s29  }
0x12f: {  	v0, _, _ =	vpop (xrf2)  }
0x130: {  	vm14 =	vcmask $0x704;
	v63 =	vmov s5;
	v0 =	vbroadcast v0, $0xF  }
0x131: {  	vm15 =	vmmov $0x1;
	v1 =	vnsel vm14, $0x0, v63  }
0x132: {  	v0 =	vsel vm15, v0, v1  }
0x133: {  	s30 =	simm.s32 $0x2F00;
	s31 =	simm.s32 $0x4;
	[tilespmem:$0x2F00] =	vst v0  }
0x134: {  	[spmem:s4] =	stream.linear.scatter [tilespmem:s30], [sflag:$0x4], $0x10, $0x38;
	[tilespmem:$0x3110] =	vst v63  }
0x135: {  	_ =	swait.ge [sflag:s31], $0x10  }
0x136: {  	[sflag:s31] =	ssyncset.done $0x0  }
0x137: {  	p0 =	sne.s32 s2, $0x0;
	[sflag:s31] =	ssyncadd.s32 $0xFFFFFFF0  }
0x138: {  	s4 =	simm.s32 @!p0 $0x2F80;
	[bflag:$0x0] =	sbarrier.arrive $0xFFFF  }
0x139: {  	[tilespmem:s4], [sflag:$0x4] =	stream.linear.gather @!p0 [spmem:s3], $0x100, $0x38;
	[tilespmem:$0x3110] =	vst v63  }
0x13a: {  	s3 =	simm.s32 @!p0 $0x4  }
0x13b: {  	_ =	swait.ge @!p0 [sflag:s3], $0x100  }
0x13c: {  	[sflag:s3] =	ssyncset.done @!p0 $0x0  }
0x13d: {  	[sflag:s3] =	ssyncadd.s32 @!p0 $0xFFFFFF00  }
0x13e: {  	v0 =	vld @!p0 [tilespmem:$0x2F80];
	_ =	sdelay $0x1  }
0x13f: {  	v1 =	vld @!p0 [tilespmem:$0x2F90];
	_ =	sdelay $0x1  }
0x140: {  	v2 =	vld @!p0 [tilespmem:$0x2FA0]  }
0x141: {  	v0 =	vadd.f32 @!p0 $0.0e+00, v0  }
0x142: {  	v3 =	vld @!p0 [tilespmem:$0x2FB0]  }
0x143: {  	v0 =	vadd.f32 @!p0 v1, v0  }
0x144: {  	v1 =	vld @!p0 [tilespmem:$0x2FC0]  }
0x145: {  	v0 =	vadd.f32 @!p0 v2, v0  }
0x146: {  	v2 =	vld @!p0 [tilespmem:$0x2FD0]  }
0x147: {  	v0 =	vadd.f32 @!p0 v3, v0  }
0x148: {  	v3 =	vld @!p0 [tilespmem:$0x2FE0]  }
0x149: {  	v0 =	vadd.f32 @!p0 v1, v0  }
0x14a: {  	v1 =	vld @!p0 [tilespmem:$0x2FF0]  }
0x14b: {  	v0 =	vadd.f32 @!p0 v2, v0  }
0x14c: {  	v2 =	vld @!p0 [tilespmem:$0x3000]  }
0x14d: {  	v0 =	vadd.f32 @!p0 v3, v0  }
0x14e: {  	v3 =	vld @!p0 [tilespmem:$0x3010]  }
0x14f: {  	v0 =	vadd.f32 @!p0 v1, v0  }
0x150: {  	v1 =	vld @!p0 [tilespmem:$0x3020]  }
0x151: {  	v0 =	vadd.f32 @!p0 v2, v0  }
0x152: {  	v2 =	vld @!p0 [tilespmem:$0x3030]  }
0x153: {  	v0 =	vadd.f32 @!p0 v3, v0  }
0x154: {  	v3 =	vld @!p0 [tilespmem:$0x3040]  }
0x155: {  	v0 =	vadd.f32 @!p0 v1, v0  }
0x156: {  	v1 =	vld @!p0 [tilespmem:$0x3050]  }
0x157: {  	v0 =	vadd.f32 @!p0 v2, v0  }
0x158: {  	v2 =	vld @!p0 [tilespmem:$0x3060]  }
0x159: {  	v0 =	vadd.f32 @!p0 v3, v0  }
0x15a: {  	v3 =	vld @!p0 [tilespmem:$0x3070]  }
0x15b: {  	v0 =	vadd.f32 @!p0 v1, v0;
	_ =	sdelay $0x1  }
0x15c: {  	v1 =	vimm.s32 @!p0 $0x1;
	v0 =	vadd.f32 @!p0 v2, v0;
	_ =	sdelay $0x1  }
0x15d: {  	v0 =	vadd.f32 @!p0 v3, v0;
	_ =	sdelay $0x1  }
0x15e: {  	s4 =	simm.s32 @!p0 $0x2F00;
	[tilespmem:$0x2F00] =	vst @!p0 v0  }
0x15f: {  	v0 =	vld.idx.msk @!p0 [tilespmem:v1+s4+$0x0], $0xffff;
	_ =	sdelay $0x4  }
0x160: {  	v0 =	vadd.f32 @!p0 v0, v0;
	_ =	sdelay $0x1  }
0x161: {  	v0 =	vadd.f32 @!p0 $9.999999740e-05, v0;
	_ =	sdelay $0x1  }
0x162: {  	(erf) = vrcp.f32 @!p0 v0;
	_ =	sdelay $0x4  }
0x163: {  	v0 =	vld.msk @!p0 [tilespmem:s4+$0x0], $0xffff;
	_ =	sdelay $0x3  }
0x164: {  	v1 =	vpop @!p0 (erf)  }
0x165: {  	v0 =	vmul.f32 @!p0 v1, v0;
	_ =	sdelay $0x1  }
0x166: {  	s5 =	simm.s32 @!p0 $0x3080;
	s4 =	simm.s32 @!p0 $0x0;
	[tilespmem:$0x3080] =	vst @!p0 v0  }
0x167: {  	[hbm4b:s1+s4] =	stream.linear.scatter @!p0 [tilespmem:s5], [sflag:$0x4], $0x80, $0x38;
	[tilespmem:$0x3110] =	vst v63  }
0x168: {  	_ =	swait.ge @!p0 [sflag:s3], $0x80  }
0x169: {  	[sflag:s3] =	ssyncset.done @!p0 $0x0  }
0x16a: {  	[sflag:s3] =	ssyncadd.s32 @!p0 $0xFFFFFF80  }
.LBB2_10:
0x16b: {  	_ =	sfence.sel $0x180000  }
0x16c: {  	[bflag:$0x0] =	sbarrier.arrive $0xFFFF  }
0x16d: {  	p0 =	sne.s32 s2, $0x0;
	_ =	strace $0x90000047  }
0x16e: {  	s0 =	sadd.s32 @!p0 $0x100000, s0;
	[bflag:$0x2] =	sbarrier.arrive $0xFFFF  }
0x16f: {  	[sflag:s0] =	ssyncadd.tile.s32 @!p0 $0x1;
	_ =	shalt  }
.Lfunc_end2:
_tile_overlayer_lowered:
.L_overlay_start_2:
0x170: {  	(tag) =	ssettag $0x2  }
0x171: {  	s0 =	rddreg [dreg:$0x0];
	s2 =	stileid.u32  }
0x172: {  	s1 =	rddreg [dreg:$0x1];
	p0 =	sne.s32 s2, $0x0  }
0x173: {  	s3 =	rddreg [dreg:$0x2];
	[bflag:$0x3] =	sbarrier.arrive $0xFFFF;
	s2 =	simm.s32 @!p0 $0x1C04  }
0x174: {  	[timem:s3], [sflag:s2] =	dma.local @!p0 [hbm:s0], s1  }
0x175: {  	s0 =	simm.s32 @!p0 $0x4  }
0x176: {  	_ =	swait.ge @!p0 [sflag:s0], s1  }
0x177: {  	s1 =	ssub.s32 @!p0 $0x0, s1;
	[sflag:s0] =	ssyncset.done @!p0 $0x0  }
0x178: {  	[sflag:s0] =	ssyncadd.s32 @!p0 s1  }
0x179: {  	[bflag:$0x3] =	sbarrier.arrive $0xFFFF  }
0x17a: {  	_ =	shalt  }

</sc_bundles>
